<compile_context>
chip_gen: v7x
topology: tpu7x:2x2x1
jax: 0.10.2.dev20260603
libtpu: 0.0.44.dev20260713+nightly
codegen_flags: <defaults>
</compile_context>

<pallas_src>
import jax
import jax.numpy as jnp
from jax import lax
from jax.experimental import pallas as pl
from jax.experimental.pallas import tpu as pltpu
from jax.experimental.pallas import tpu_sc as plsc

B = 1024
S = 200
M = 64
D = 64
NC = 2
NS = 16
NW = NC * NS
R = B // NW

S0, S1 = 104, 96


def _sort_body(lr_ref, lc_ref, ctf_ref, rank_ref, lsort_ref, isort_ref,
               cts_ref):
    lr = lr_ref[...]
    lc = lc_ref[...]
    ii = lax.broadcasted_iota(jnp.int32, (B, B), 0)
    jj = lax.broadcasted_iota(jnp.int32, (B, B), 1)
    before = (lr > lc) | ((lr == lc) & (jj < ii))
    rank_ref[...] = jnp.sum(before.astype(jnp.int32), axis=1, keepdims=True)
    before2 = (lc > lr) | ((lc == lr) & (ii < jj))
    rank_row = jnp.sum(before2.astype(jnp.int32), axis=0, keepdims=True)
    sel = ii == rank_row
    isort_ref[...] = jnp.sum(jnp.where(sel, jj, 0), axis=1, keepdims=True)
    lsort_ref[...] = jnp.sum(jnp.where(sel, lr, 0), axis=1, keepdims=True)
    p = sel.astype(jnp.float32)
    cts = jax.lax.dot(p, ctf_ref[...], precision=jax.lax.Precision.HIGHEST)
    cts_ref[...] = cts.astype(jnp.int32)


def _sort_tc(length_flat, ct):
    lr = length_flat.reshape(1, B)
    lc = length_flat.reshape(B, 1)
    ctf = ct.astype(jnp.float32)
    rank, lsorted, isort, cts = pl.pallas_call(
        _sort_body,
        out_shape=[
            jax.ShapeDtypeStruct((B, 1), jnp.int32),
            jax.ShapeDtypeStruct((B, 1), jnp.int32),
            jax.ShapeDtypeStruct((B, 1), jnp.int32),
            jax.ShapeDtypeStruct((B, S), jnp.int32),
        ],
    )(lr, lc, ctf)
    return rank.reshape(B), lsorted.reshape(B), isort, cts


def _sc_mat_body(mi_hbm, mat_hbm, out_hbm, mi_v, m0_v, m1_v, semm0, semm1):
    c = lax.axis_index("c")
    s = lax.axis_index("s")
    wid = s * NC + c
    base = wid * R
    pltpu.sync_copy(mi_hbm.at[pl.ds(base * 8, R * 8)], mi_v)

    mbufs = (m0_v, m1_v)
    msems = (semm0, semm1)

    def issue(r, b):
        pltpu.async_copy(mat_hbm.at[mi_v.at[pl.ds(r * 8, 1)]], mbufs[b],
                         msems[b])

    def drain(r, b):
        pltpu.make_async_copy(mat_hbm.at[mi_v.at[pl.ds(r * 8, 1)]], mbufs[b],
                              msems[b]).wait()

    def write(r, b):
        pltpu.sync_copy(mbufs[b].at[0], out_hbm.at[base + r, :, pl.ds(0, M)])

    issue(0, 0)

    def pair(p, carry):
        r0 = 2 * p
        r1 = r0 + 1
        drain(r0, 0)
        issue(r1, 1)
        write(r0, 0)
        drain(r1, 1)

        @pl.when(p + 1 < R // 2)
        def _():
            issue(r0 + 2, 0)

        write(r1, 1)
        return carry

    lax.fori_loop(0, R // 2, pair, 0)


def _sc_tab_body(ci_hbm, tab_hbm, out_hbm, ci_v, t0_v, t1_v, semt0, semt1):
    c = lax.axis_index("c")
    s = lax.axis_index("s")
    wid = s * NC + c
    base = wid * R
    pltpu.sync_copy(ci_hbm.at[pl.ds(base * S, R * S)], ci_v)

    tbufs = (t0_v, t1_v)
    tsems = (semt0, semt1)

    def issue(r, b):
        o = r * S
        pltpu.async_copy(tab_hbm.at[ci_v.at[pl.ds(o, S0)]],
                         tbufs[b].at[pl.ds(0, S0)], tsems[b])
        pltpu.async_copy(tab_hbm.at[ci_v.at[pl.ds(o + S0, S1)]],
                         tbufs[b].at[pl.ds(S0, S1)], tsems[b])

    def drain(r, b):
        o = r * S
        pltpu.make_async_copy(tab_hbm.at[ci_v.at[pl.ds(o, S0)]],
                              tbufs[b].at[pl.ds(0, S0)], tsems[b]).wait()
        pltpu.make_async_copy(tab_hbm.at[ci_v.at[pl.ds(o + S0, S1)]],
                              tbufs[b].at[pl.ds(S0, S1)], tsems[b]).wait()

    def write(r, b):
        pltpu.sync_copy(tbufs[b].at[:, pl.ds(0, D)],
                        out_hbm.at[base + r, :, pl.ds(M, D)])

    issue(0, 0)

    def pair(p, carry):
        r0 = 2 * p
        r1 = r0 + 1
        drain(r0, 0)
        issue(r1, 1)
        write(r0, 0)
        drain(r1, 1)

        @pl.when(p + 1 < R // 2)
        def _():
            issue(r0 + 2, 0)

        write(r1, 1)
        return carry

    lax.fori_loop(0, R // 2, pair, 0)


@jax.jit
def _run(matrix, length, core_terms, table):
    length_flat = length.reshape(B)
    ct = core_terms.reshape(B, S)
    idx_unsort, length_sorted, isort, cts = _sort_tc(length_flat, ct)

    mi_1d = jnp.pad(isort, ((0, 0), (0, 7))).reshape(B * 8)
    ci_1d = cts.reshape(B * S)
    mat3d = matrix.reshape(B, S, M)
    tab_pad = jnp.pad(table, ((0, 0), (0, 128 - D)))

    mesh = plsc.VectorSubcoreMesh(core_axis_name="c", subcore_axis_name="s")
    x1 = pl.kernel(
        _sc_mat_body,
        mesh=mesh,
        out_type=jax.ShapeDtypeStruct((B, S, M + D), jnp.float32),
        compiler_params=pltpu.CompilerParams(use_tc_tiling_on_sc=False),
        scratch_types=[
            pltpu.VMEM((R * 8,), jnp.int32),
            pltpu.VMEM((1, S, M), jnp.float32),
            pltpu.VMEM((1, S, M), jnp.float32),
            pltpu.SemaphoreType.DMA,
            pltpu.SemaphoreType.DMA,
        ],
    )(mi_1d, mat3d)
    x_ref = jax.new_ref(x1)
    pl.kernel(
        _sc_tab_body,
        mesh=mesh,
        out_type=(),
        compiler_params=pltpu.CompilerParams(use_tc_tiling_on_sc=False),
        scratch_types=[
            pltpu.VMEM((R * S,), jnp.int32),
            pltpu.VMEM((S, 128), jnp.float32),
            pltpu.VMEM((S, 128), jnp.float32),
            pltpu.SemaphoreType.DMA,
            pltpu.SemaphoreType.DMA,
        ],
    )(ci_1d, tab_pad, x_ref)
    return x_ref[...], length_sorted, idx_unsort


def kernel(matrix, length, core_terms, table):
    return _run(matrix, length, core_terms, table)

# --- scband reference (transcript-rebuilt; emitter-appended) ---
"""Pipeline reference for scband-code-embedding-module-60936995995874 (READ-ONLY COPY).

The authoritative reference and input builder live on the scoring server;
editing this copy changes nothing except your own understanding.
"""

import jax, jax.numpy as jnp
import numpy as np


def setup_inputs(seed: int = 0) -> dict:
    key = jax.random.key(seed)
    k1, k2, k3, k4 = jax.random.split(key, 4)
    matrix = jax.random.normal(k1, (16, 64, 200, 64), dtype=jnp.float32)
    length = jax.random.randint(k2, (16, 64), 0, 200, dtype=jnp.int32)
    core_terms = jax.random.randint(k3, (16, 64, 200), 0, 1000000, dtype=jnp.int32)
    table = jax.random.normal(k4, (1000000, 64), dtype=jnp.float32) * 0.02
    return {"matrix": matrix, "length": length, "core_terms": core_terms, "table": table}


def reference(matrix, length, core_terms, table):
    # torch.cat(length): length is iterated over dim 0 and concatenated -> flatten
    length_flat = length.reshape(-1)
    # _, idx_sort = torch.sort(length, dim=0, descending=True)
    idx_sort = jnp.argsort(-length_flat)
    # _, idx_unsort = torch.sort(idx_sort, dim=0)
    idx_unsort = jnp.argsort(idx_sort)
    length_sorted = length_flat[idx_sort]
    # core_terms: cat of squeezed dim-0 splits == reshape(B*n, s)
    ct = core_terms.reshape(-1, core_terms.shape[-1])
    # embedding lookup (gather)
    core_term_vec = jnp.take(table, ct, axis=0).astype(jnp.float32)
    # matrix: cat of squeezed dim-0 splits == reshape(B*n, s, m)
    mat = matrix.reshape(-1, matrix.shape[-2], matrix.shape[-1]).astype(jnp.float32)
    x = jnp.concatenate([mat, core_term_vec], axis=2)
    x = x[idx_sort]
    return (x, length_sorted, idx_unsort)

if __name__ == "__main__":
    import jax
    _d = setup_inputs()
    print(jax.jit(kernel)(*tuple(_d.values())))

</pallas_src>

<mosaic_0001>
#map = affine_map<(d0, d1) -> (0)>
#map1 = affine_map<(d0, d1) -> (0, 0, 0)>
module attributes {stable_mosaic.version = 14 : i64} {
  func.func @_sc_mat_body(%arg0: i32, %arg1: i32, %arg2: memref<8192xi32, #tpu.memory_space<hbm>>, %arg3: memref<1024x200x64xf32, #tpu.memory_space<hbm>>, %arg4: memref<1024x200x128xf32, #tpu.memory_space<hbm>>, %arg5: memref<256xi32, #tpu.memory_space<vmem>>, %arg6: memref<1x200x64xf32, #tpu.memory_space<vmem>>, %arg7: memref<1x200x64xf32, #tpu.memory_space<vmem>>, %arg8: memref<!tpu.dma_semaphore, #tpu.memory_space<semaphore_mem>>, %arg9: memref<!tpu.dma_semaphore, #tpu.memory_space<semaphore_mem>>) attributes {dimension_semantics = [#tpu.dimension_semantics<core_parallel>, #tpu.dimension_semantics<subcore_parallel>], iteration_bounds = array<i64: 2, 16>, scalar_prefetch = 0 : i64, scratch_operands = 5 : i64, tpu.core_type = #tpu.core_type<sc_vector_subcore>, window_params = [{transform_indices = #map}, {transform_indices = #map1}, {transform_indices = #map1}]} {
    %mul3A = arith.constant 2 : i32
    %mul3A_0 = arith.muli %arg1, %mul3A : i32
    %add3A = arith.addi %mul3A_0, %arg0 : i32
    %mul3A_1 = arith.constant 32 : i32
    %mul3A_2 = arith.muli %add3A, %mul3A_1 : i32
    %mul3A_3 = arith.constant 8 : i32
    %mul3A_4 = arith.muli %mul3A_2, %mul3A_3 : i32
    "tpu.region"() ({
      %run_scoped3A = tpu.sem_alloc : memref<!tpu.dma_semaphore, #tpu.memory_space<semaphore_mem>>
      %dma_start3A_15 = tpu.memref_slice %arg2[%mul3A_4] : memref<8192xi32, #tpu.memory_space<hbm>> -> memref<256xi32, #tpu.memory_space<hbm>>
      %dma_start3A_16 = tpu.memref_slice %arg2[%mul3A_4] : memref<8192xi32, #tpu.memory_space<hbm>> -> memref<256xi32, #tpu.memory_space<hbm>>
      tpu.enqueue_dma source(%dma_start3A_16 : memref<256xi32, #tpu.memory_space<hbm>>) target(%arg5 : memref<256xi32, #tpu.memory_space<vmem>>) target_semaphore(%run_scoped3A : memref<!tpu.dma_semaphore, #tpu.memory_space<semaphore_mem>>)
      %dma_wait3A = tpu.memref_slice %arg2[%mul3A_4] : memref<8192xi32, #tpu.memory_space<hbm>> -> memref<256xi32, #tpu.memory_space<hbm>>
      %dma_wait3A_17 = tpu.memref_slice %arg2[%mul3A_4] : memref<8192xi32, #tpu.memory_space<hbm>> -> memref<256xi32, #tpu.memory_space<hbm>>
      tpu.wait_dma2 semaphore(%run_scoped3A : memref<!tpu.dma_semaphore, #tpu.memory_space<semaphore_mem>>) src(%dma_wait3A_17 : memref<256xi32, #tpu.memory_space<hbm>>) dst(%arg5 : memref<256xi32, #tpu.memory_space<vmem>>)
      tpu.yield
    }) : () -> ()
    %dma_start3A = arith.constant 0 : i32
    %dma_start3A_5 = tpu.memref_slice %arg5[%dma_start3A] : memref<256xi32, #tpu.memory_space<vmem>> -> memref<1xi32, #tpu.memory_space<vmem>>
    %dma_start3A_6 = arith.constant 0 : i32
    %dma_start3A_7 = arith.constant 0 : i32
    %dma_start3A_8 = arith.constant 0 : i32
    %dma_start3A_9 = tpu.memref_slice %arg3[%dma_start3A_6, %dma_start3A_7, %dma_start3A_8] : memref<1024x200x64xf32, #tpu.memory_space<hbm>> -> memref<1024x200x64xf32, #tpu.memory_space<hbm>>
    tpu.enqueue_indirect_dma source(%dma_start3A_9 : memref<1024x200x64xf32, #tpu.memory_space<hbm>>) target(%arg6 : memref<1x200x64xf32, #tpu.memory_space<vmem>>) offsets(%dma_start3A_5 : memref<1xi32, #tpu.memory_space<vmem>>) semaphore(%arg8 : memref<!tpu.dma_semaphore, #tpu.memory_space<semaphore_mem>>)
    %scan3A = arith.constant 0 : i32
    %scan3A_10 = arith.constant 0 : i32
    %scan3A_11 = arith.constant 16 : i32
    %scan3A_12 = arith.addi %scan3A_10, %scan3A_11 : i32
    %scan3A_13 = arith.constant 1 : i32
    scf.for %scan3A_15 = %scan3A_10 to %scan3A_12 step %scan3A_13  : i32 {
      %mul3A_16 = arith.constant 2 : i32
      %mul3A_17 = arith.muli %mul3A_16, %scan3A_15 : i32
      %add3A_18 = arith.constant 1 : i32
      %add3A_19 = arith.addi %mul3A_17, %add3A_18 : i32
      %mul3A_20 = arith.constant 8 : i32
      %mul3A_21 = arith.muli %mul3A_17, %mul3A_20 : i32
      %dma_wait3A = tpu.memref_slice %arg5[%mul3A_21] : memref<256xi32, #tpu.memory_space<vmem>> -> memref<1xi32, #tpu.memory_space<vmem>>
      %dma_wait3A_22 = arith.constant 0 : i32
      %dma_wait3A_23 = arith.constant 0 : i32
      %dma_wait3A_24 = arith.constant 0 : i32
      %dma_wait3A_25 = tpu.memref_slice %arg3[%dma_wait3A_22, %dma_wait3A_23, %dma_wait3A_24] : memref<1024x200x64xf32, #tpu.memory_space<hbm>> -> memref<1024x200x64xf32, #tpu.memory_space<hbm>>
      tpu.wait_indirect_dma semaphore(%arg8 : memref<!tpu.dma_semaphore, #tpu.memory_space<semaphore_mem>>) src(%dma_wait3A_25 : memref<1024x200x64xf32, #tpu.memory_space<hbm>>) dst(%arg6 : memref<1x200x64xf32, #tpu.memory_space<vmem>>)
      %mul3A_26 = arith.constant 8 : i32
      %mul3A_27 = arith.muli %add3A_19, %mul3A_26 : i32
      %dma_start3A_28 = tpu.memref_slice %arg5[%mul3A_27] : memref<256xi32, #tpu.memory_space<vmem>> -> memref<1xi32, #tpu.memory_space<vmem>>
      %dma_start3A_29 = arith.constant 0 : i32
      %dma_start3A_30 = arith.constant 0 : i32
      %dma_start3A_31 = arith.constant 0 : i32
      %dma_start3A_32 = tpu.memref_slice %arg3[%dma_start3A_29, %dma_start3A_30, %dma_start3A_31] : memref<1024x200x64xf32, #tpu.memory_space<hbm>> -> memref<1024x200x64xf32, #tpu.memory_space<hbm>>
      tpu.enqueue_indirect_dma source(%dma_start3A_32 : memref<1024x200x64xf32, #tpu.memory_space<hbm>>) target(%arg7 : memref<1x200x64xf32, #tpu.memory_space<vmem>>) offsets(%dma_start3A_28 : memref<1xi32, #tpu.memory_space<vmem>>) semaphore(%arg9 : memref<!tpu.dma_semaphore, #tpu.memory_space<semaphore_mem>>)
      %add3A_33 = arith.addi %mul3A_2, %mul3A_17 : i32
      %run_scoped3A = arith.constant 0 : i32
      "tpu.region"() ({
        %run_scoped3A_47 = tpu.sem_alloc : memref<!tpu.dma_semaphore, #tpu.memory_space<semaphore_mem>>
        %dma_start3A_48 = arith.constant 0 : i32
        %dma_start3A_49 = arith.constant 0 : i32
        %dma_start3A_50 = tpu.memref_slice %arg6[%run_scoped3A, %dma_start3A_48, %dma_start3A_49] : memref<1x200x64xf32, #tpu.memory_space<vmem>> -> memref<1x200x64xf32, #tpu.memory_space<vmem>>
        %dma_start3A_51 = tpu.memref_squeeze %dma_start3A_50 : memref<1x200x64xf32, #tpu.memory_space<vmem>> -> memref<200x64xf32, #tpu.memory_space<vmem>>
        %dma_start3A_52 = arith.constant 0 : i32
        %dma_start3A_53 = arith.constant 0 : i32
        %dma_start3A_54 = tpu.memref_slice %arg4[%add3A_33, %dma_start3A_52, %dma_start3A_53] : memref<1024x200x128xf32, #tpu.memory_space<hbm>> -> memref<1x200x64xf32, #tpu.memory_space<hbm>>
        %dma_start3A_55 = tpu.memref_squeeze %dma_start3A_54 : memref<1x200x64xf32, #tpu.memory_space<hbm>> -> memref<200x64xf32, #tpu.memory_space<hbm>>
        %dma_start3A_56 = arith.constant 0 : i32
        %dma_start3A_57 = arith.constant 0 : i32
        %dma_start3A_58 = tpu.memref_slice %arg4[%add3A_33, %dma_start3A_56, %dma_start3A_57] : memref<1024x200x128xf32, #tpu.memory_space<hbm>> -> memref<1x200x64xf32, #tpu.memory_space<hbm>>
        %dma_start3A_59 = tpu.memref_squeeze %dma_start3A_58 : memref<1x200x64xf32, #tpu.memory_space<hbm>> -> memref<200x64xf32, #tpu.memory_space<hbm>>
        %dma_start3A_60 = arith.constant 0 : i32
        %dma_start3A_61 = arith.constant 0 : i32
        %dma_start3A_62 = tpu.memref_slice %arg6[%run_scoped3A, %dma_start3A_60, %dma_start3A_61] : memref<1x200x64xf32, #tpu.memory_space<vmem>> -> memref<1x200x64xf32, #tpu.memory_space<vmem>>
        %dma_start3A_63 = tpu.memref_squeeze %dma_start3A_62 : memref<1x200x64xf32, #tpu.memory_space<vmem>> -> memref<200x64xf32, #tpu.memory_space<vmem>>
        tpu.enqueue_dma source(%dma_start3A_63 : memref<200x64xf32, #tpu.memory_space<vmem>>) target(%dma_start3A_59 : memref<200x64xf32, #tpu.memory_space<hbm>>) target_semaphore(%run_scoped3A_47 : memref<!tpu.dma_semaphore, #tpu.memory_space<semaphore_mem>>)
        %dma_wait3A_64 = arith.constant 0 : i32
        %dma_wait3A_65 = arith.constant 0 : i32
        %dma_wait3A_66 = tpu.memref_slice %arg6[%run_scoped3A, %dma_wait3A_64, %dma_wait3A_65] : memref<1x200x64xf32, #tpu.memory_space<vmem>> -> memref<1x200x64xf32, #tpu.memory_space<vmem>>
        %dma_wait3A_67 = tpu.memref_squeeze %dma_wait3A_66 : memref<1x200x64xf32, #tpu.memory_space<vmem>> -> memref<200x64xf32, #tpu.memory_space<vmem>>
        %dma_wait3A_68 = arith.constant 0 : i32
        %dma_wait3A_69 = arith.constant 0 : i32
        %dma_wait3A_70 = tpu.memref_slice %arg4[%add3A_33, %dma_wait3A_68, %dma_wait3A_69] : memref<1024x200x128xf32, #tpu.memory_space<hbm>> -> memref<1x200x64xf32, #tpu.memory_space<hbm>>
        %dma_wait3A_71 = tpu.memref_squeeze %dma_wait3A_70 : memref<1x200x64xf32, #tpu.memory_space<hbm>> -> memref<200x64xf32, #tpu.memory_space<hbm>>
        %dma_wait3A_72 = arith.constant 0 : i32
        %dma_wait3A_73 = arith.constant 0 : i32
        %dma_wait3A_74 = tpu.memref_slice %arg4[%add3A_33, %dma_wait3A_72, %dma_wait3A_73] : memref<1024x200x128xf32, #tpu.memory_space<hbm>> -> memref<1x200x64xf32, #tpu.memory_space<hbm>>
        %dma_wait3A_75 = tpu.memref_squeeze %dma_wait3A_74 : memref<1x200x64xf32, #tpu.memory_space<hbm>> -> memref<200x64xf32, #tpu.memory_space<hbm>>
        %dma_wait3A_76 = arith.constant 0 : i32
        %dma_wait3A_77 = arith.constant 0 : i32
        %dma_wait3A_78 = tpu.memref_slice %arg6[%run_scoped3A, %dma_wait3A_76, %dma_wait3A_77] : memref<1x200x64xf32, #tpu.memory_space<vmem>> -> memref<1x200x64xf32, #tpu.memory_space<vmem>>
        %dma_wait3A_79 = tpu.memref_squeeze %dma_wait3A_78 : memref<1x200x64xf32, #tpu.memory_space<vmem>> -> memref<200x64xf32, #tpu.memory_space<vmem>>
        tpu.wait_dma2 semaphore(%run_scoped3A_47 : memref<!tpu.dma_semaphore, #tpu.memory_space<semaphore_mem>>) src(%dma_wait3A_79 : memref<200x64xf32, #tpu.memory_space<vmem>>) dst(%dma_wait3A_75 : memref<200x64xf32, #tpu.memory_space<hbm>>)
        tpu.yield
      }) : () -> ()
      %mul3A_34 = arith.constant 8 : i32
      %mul3A_35 = arith.muli %add3A_19, %mul3A_34 : i32
      %dma_wait3A_36 = tpu.memref_slice %arg5[%mul3A_35] : memref<256xi32, #tpu.memory_space<vmem>> -> memref<1xi32, #tpu.memory_space<vmem>>
      %dma_wait3A_37 = arith.constant 0 : i32
      %dma_wait3A_38 = arith.constant 0 : i32
      %dma_wait3A_39 = arith.constant 0 : i32
      %dma_wait3A_40 = tpu.memref_slice %arg3[%dma_wait3A_37, %dma_wait3A_38, %dma_wait3A_39] : memref<1024x200x64xf32, #tpu.memory_space<hbm>> -> memref<1024x200x64xf32, #tpu.memory_space<hbm>>
      tpu.wait_indirect_dma semaphore(%arg9 : memref<!tpu.dma_semaphore, #tpu.memory_space<semaphore_mem>>) src(%dma_wait3A_40 : memref<1024x200x64xf32, #tpu.memory_space<hbm>>) dst(%arg7 : memref<1x200x64xf32, #tpu.memory_space<vmem>>)
      %add3A_41 = arith.constant 1 : i32
      %add3A_42 = arith.addi %scan3A_15, %add3A_41 : i32
      %lt3A = arith.constant 16 : i32
      %lt3A_43 = arith.cmpi slt, %add3A_42, %lt3A : i32
      %convert_element_type3A = arith.extui %lt3A_43 : i1 to i32
      %cond3A = arith.constant 0 : i32
      %cond3A_44 = arith.cmpi ne, %convert_element_type3A, %cond3A : i32
      scf.if %cond3A_44 {
        %add3A_47 = arith.constant 2 : i32
        %add3A_48 = arith.addi %mul3A_17, %add3A_47 : i32
        %mul3A_49 = arith.constant 8 : i32
        %mul3A_50 = arith.muli %add3A_48, %mul3A_49 : i32
        %dma_start3A_51 = tpu.memref_slice %arg5[%mul3A_50] : memref<256xi32, #tpu.memory_space<vmem>> -> memref<1xi32, #tpu.memory_space<vmem>>
        %dma_start3A_52 = arith.constant 0 : i32
        %dma_start3A_53 = arith.constant 0 : i32
        %dma_start3A_54 = arith.constant 0 : i32
        %dma_start3A_55 = tpu.memref_slice %arg3[%dma_start3A_52, %dma_start3A_53, %dma_start3A_54] : memref<1024x200x64xf32, #tpu.memory_space<hbm>> -> memref<1024x200x64xf32, #tpu.memory_space<hbm>>
        tpu.enqueue_indirect_dma source(%dma_start3A_55 : memref<1024x200x64xf32, #tpu.memory_space<hbm>>) target(%arg6 : memref<1x200x64xf32, #tpu.memory_space<vmem>>) offsets(%dma_start3A_51 : memref<1xi32, #tpu.memory_space<vmem>>) semaphore(%arg8 : memref<!tpu.dma_semaphore, #tpu.memory_space<semaphore_mem>>)
      } else {
      }
      %add3A_45 = arith.addi %mul3A_2, %add3A_19 : i32
      %run_scoped3A_46 = arith.constant 0 : i32
      "tpu.region"() ({
        %run_scoped3A_47 = tpu.sem_alloc : memref<!tpu.dma_semaphore, #tpu.memory_space<semaphore_mem>>
        %dma_start3A_48 = arith.constant 0 : i32
        %dma_start3A_49 = arith.constant 0 : i32
        %dma_start3A_50 = tpu.memref_slice %arg7[%run_scoped3A_46, %dma_start3A_48, %dma_start3A_49] : memref<1x200x64xf32, #tpu.memory_space<vmem>> -> memref<1x200x64xf32, #tpu.memory_space<vmem>>
        %dma_start3A_51 = tpu.memref_squeeze %dma_start3A_50 : memref<1x200x64xf32, #tpu.memory_space<vmem>> -> memref<200x64xf32, #tpu.memory_space<vmem>>
        %dma_start3A_52 = arith.constant 0 : i32
        %dma_start3A_53 = arith.constant 0 : i32
        %dma_start3A_54 = tpu.memref_slice %arg4[%add3A_45, %dma_start3A_52, %dma_start3A_53] : memref<1024x200x128xf32, #tpu.memory_space<hbm>> -> memref<1x200x64xf32, #tpu.memory_space<hbm>>
        %dma_start3A_55 = tpu.memref_squeeze %dma_start3A_54 : memref<1x200x64xf32, #tpu.memory_space<hbm>> -> memref<200x64xf32, #tpu.memory_space<hbm>>
        %dma_start3A_56 = arith.constant 0 : i32
        %dma_start3A_57 = arith.constant 0 : i32
        %dma_start3A_58 = tpu.memref_slice %arg4[%add3A_45, %dma_start3A_56, %dma_start3A_57] : memref<1024x200x128xf32, #tpu.memory_space<hbm>> -> memref<1x200x64xf32, #tpu.memory_space<hbm>>
        %dma_start3A_59 = tpu.memref_squeeze %dma_start3A_58 : memref<1x200x64xf32, #tpu.memory_space<hbm>> -> memref<200x64xf32, #tpu.memory_space<hbm>>
        %dma_start3A_60 = arith.constant 0 : i32
        %dma_start3A_61 = arith.constant 0 : i32
        %dma_start3A_62 = tpu.memref_slice %arg7[%run_scoped3A_46, %dma_start3A_60, %dma_start3A_61] : memref<1x200x64xf32, #tpu.memory_space<vmem>> -> memref<1x200x64xf32, #tpu.memory_space<vmem>>
        %dma_start3A_63 = tpu.memref_squeeze %dma_start3A_62 : memref<1x200x64xf32, #tpu.memory_space<vmem>> -> memref<200x64xf32, #tpu.memory_space<vmem>>
        tpu.enqueue_dma source(%dma_start3A_63 : memref<200x64xf32, #tpu.memory_space<vmem>>) target(%dma_start3A_59 : memref<200x64xf32, #tpu.memory_space<hbm>>) target_semaphore(%run_scoped3A_47 : memref<!tpu.dma_semaphore, #tpu.memory_space<semaphore_mem>>)
        %dma_wait3A_64 = arith.constant 0 : i32
        %dma_wait3A_65 = arith.constant 0 : i32
        %dma_wait3A_66 = tpu.memref_slice %arg7[%run_scoped3A_46, %dma_wait3A_64, %dma_wait3A_65] : memref<1x200x64xf32, #tpu.memory_space<vmem>> -> memref<1x200x64xf32, #tpu.memory_space<vmem>>
        %dma_wait3A_67 = tpu.memref_squeeze %dma_wait3A_66 : memref<1x200x64xf32, #tpu.memory_space<vmem>> -> memref<200x64xf32, #tpu.memory_space<vmem>>
        %dma_wait3A_68 = arith.constant 0 : i32
        %dma_wait3A_69 = arith.constant 0 : i32
        %dma_wait3A_70 = tpu.memref_slice %arg4[%add3A_45, %dma_wait3A_68, %dma_wait3A_69] : memref<1024x200x128xf32, #tpu.memory_space<hbm>> -> memref<1x200x64xf32, #tpu.memory_space<hbm>>
        %dma_wait3A_71 = tpu.memref_squeeze %dma_wait3A_70 : memref<1x200x64xf32, #tpu.memory_space<hbm>> -> memref<200x64xf32, #tpu.memory_space<hbm>>
        %dma_wait3A_72 = arith.constant 0 : i32
        %dma_wait3A_73 = arith.constant 0 : i32
        %dma_wait3A_74 = tpu.memref_slice %arg4[%add3A_45, %dma_wait3A_72, %dma_wait3A_73] : memref<1024x200x128xf32, #tpu.memory_space<hbm>> -> memref<1x200x64xf32, #tpu.memory_space<hbm>>
        %dma_wait3A_75 = tpu.memref_squeeze %dma_wait3A_74 : memref<1x200x64xf32, #tpu.memory_space<hbm>> -> memref<200x64xf32, #tpu.memory_space<hbm>>
        %dma_wait3A_76 = arith.constant 0 : i32
        %dma_wait3A_77 = arith.constant 0 : i32
        %dma_wait3A_78 = tpu.memref_slice %arg7[%run_scoped3A_46, %dma_wait3A_76, %dma_wait3A_77] : memref<1x200x64xf32, #tpu.memory_space<vmem>> -> memref<1x200x64xf32, #tpu.memory_space<vmem>>
        %dma_wait3A_79 = tpu.memref_squeeze %dma_wait3A_78 : memref<1x200x64xf32, #tpu.memory_space<vmem>> -> memref<200x64xf32, #tpu.memory_space<vmem>>
        tpu.wait_dma2 semaphore(%run_scoped3A_47 : memref<!tpu.dma_semaphore, #tpu.memory_space<semaphore_mem>>) src(%dma_wait3A_79 : memref<200x64xf32, #tpu.memory_space<vmem>>) dst(%dma_wait3A_75 : memref<200x64xf32, #tpu.memory_space<hbm>>)
        tpu.yield
      }) : () -> ()
    }
    %scan3A_14 = arith.constant 16 : i32
    return
  }
}

#map = affine_map<(d0, d1) -> (0)>
#map1 = affine_map<(d0, d1) -> (0, 0)>
#map2 = affine_map<(d0, d1) -> (0, 0, 0)>
module attributes {stable_mosaic.version = 14 : i64} {
  func.func @new_body(%arg0: i32, %arg1: i32, %arg2: memref<204800xi32, #tpu.memory_space<hbm>>, %arg3: memref<1000000x128xf32, #tpu.memory_space<hbm>>, %arg4: memref<1024x200x128xf32, #tpu.memory_space<hbm>>, %arg5: memref<1024x200x128xf32, #tpu.memory_space<hbm>>, %arg6: memref<6400xi32, #tpu.memory_space<vmem>>, %arg7: memref<200x128xf32, #tpu.memory_space<vmem>>, %arg8: memref<200x128xf32, #tpu.memory_space<vmem>>, %arg9: memref<!tpu.dma_semaphore, #tpu.memory_space<semaphore_mem>>, %arg10: memref<!tpu.dma_semaphore, #tpu.memory_space<semaphore_mem>>) attributes {dimension_semantics = [#tpu.dimension_semantics<core_parallel>, #tpu.dimension_semantics<subcore_parallel>], iteration_bounds = array<i64: 2, 16>, scalar_prefetch = 0 : i64, scratch_operands = 5 : i64, tpu.core_type = #tpu.core_type<sc_vector_subcore>, window_params = [{transform_indices = #map}, {transform_indices = #map1}, {transform_indices = #map2}, {transform_indices = #map2}]} {
    %mul3A = arith.constant 2 : i32
    %mul3A_0 = arith.muli %arg1, %mul3A : i32
    %add3A = arith.addi %mul3A_0, %arg0 : i32
    %mul3A_1 = arith.constant 32 : i32
    %mul3A_2 = arith.muli %add3A, %mul3A_1 : i32
    %mul3A_3 = arith.constant 200 : i32
    %mul3A_4 = arith.muli %mul3A_2, %mul3A_3 : i32
    "tpu.region"() ({
      %run_scoped3A = tpu.sem_alloc : memref<!tpu.dma_semaphore, #tpu.memory_space<semaphore_mem>>
      %dma_start3A_25 = tpu.memref_slice %arg2[%mul3A_4] : memref<204800xi32, #tpu.memory_space<hbm>> -> memref<6400xi32, #tpu.memory_space<hbm>>
      %dma_start3A_26 = tpu.memref_slice %arg2[%mul3A_4] : memref<204800xi32, #tpu.memory_space<hbm>> -> memref<6400xi32, #tpu.memory_space<hbm>>
      tpu.enqueue_dma source(%dma_start3A_26 : memref<6400xi32, #tpu.memory_space<hbm>>) target(%arg6 : memref<6400xi32, #tpu.memory_space<vmem>>) target_semaphore(%run_scoped3A : memref<!tpu.dma_semaphore, #tpu.memory_space<semaphore_mem>>)
      %dma_wait3A = tpu.memref_slice %arg2[%mul3A_4] : memref<204800xi32, #tpu.memory_space<hbm>> -> memref<6400xi32, #tpu.memory_space<hbm>>
      %dma_wait3A_27 = tpu.memref_slice %arg2[%mul3A_4] : memref<204800xi32, #tpu.memory_space<hbm>> -> memref<6400xi32, #tpu.memory_space<hbm>>
      tpu.wait_dma2 semaphore(%run_scoped3A : memref<!tpu.dma_semaphore, #tpu.memory_space<semaphore_mem>>) src(%dma_wait3A_27 : memref<6400xi32, #tpu.memory_space<hbm>>) dst(%arg6 : memref<6400xi32, #tpu.memory_space<vmem>>)
      tpu.yield
    }) : () -> ()
    %dma_start3A = arith.constant 0 : i32
    %dma_start3A_5 = arith.constant 0 : i32
    %dma_start3A_6 = tpu.memref_slice %arg7[%dma_start3A, %dma_start3A_5] : memref<200x128xf32, #tpu.memory_space<vmem>> -> memref<104x128xf32, #tpu.memory_space<vmem>>
    %dma_start3A_7 = arith.constant 0 : i32
    %dma_start3A_8 = tpu.memref_slice %arg6[%dma_start3A_7] : memref<6400xi32, #tpu.memory_space<vmem>> -> memref<104xi32, #tpu.memory_space<vmem>>
    %dma_start3A_9 = arith.constant 0 : i32
    %dma_start3A_10 = arith.constant 0 : i32
    %dma_start3A_11 = tpu.memref_slice %arg3[%dma_start3A_9, %dma_start3A_10] : memref<1000000x128xf32, #tpu.memory_space<hbm>> -> memref<1000000x128xf32, #tpu.memory_space<hbm>>
    tpu.enqueue_indirect_dma source(%dma_start3A_11 : memref<1000000x128xf32, #tpu.memory_space<hbm>>) target(%dma_start3A_6 : memref<104x128xf32, #tpu.memory_space<vmem>>) offsets(%dma_start3A_8 : memref<104xi32, #tpu.memory_space<vmem>>) semaphore(%arg9 : memref<!tpu.dma_semaphore, #tpu.memory_space<semaphore_mem>>)
    %dma_start3A_12 = arith.constant 104 : i32
    %dma_start3A_13 = arith.constant 0 : i32
    %dma_start3A_14 = tpu.memref_slice %arg7[%dma_start3A_12, %dma_start3A_13] : memref<200x128xf32, #tpu.memory_space<vmem>> -> memref<96x128xf32, #tpu.memory_space<vmem>>
    %dma_start3A_15 = arith.constant 104 : i32
    %dma_start3A_16 = tpu.memref_slice %arg6[%dma_start3A_15] : memref<6400xi32, #tpu.memory_space<vmem>> -> memref<96xi32, #tpu.memory_space<vmem>>
    %dma_start3A_17 = arith.constant 0 : i32
    %dma_start3A_18 = arith.constant 0 : i32
    %dma_start3A_19 = tpu.memref_slice %arg3[%dma_start3A_17, %dma_start3A_18] : memref<1000000x128xf32, #tpu.memory_space<hbm>> -> memref<1000000x128xf32, #tpu.memory_space<hbm>>
    tpu.enqueue_indirect_dma source(%dma_start3A_19 : memref<1000000x128xf32, #tpu.memory_space<hbm>>) target(%dma_start3A_14 : memref<96x128xf32, #tpu.memory_space<vmem>>) offsets(%dma_start3A_16 : memref<96xi32, #tpu.memory_space<vmem>>) semaphore(%arg9 : memref<!tpu.dma_semaphore, #tpu.memory_space<semaphore_mem>>)
    %scan3A = arith.constant 0 : i32
    %scan3A_20 = arith.constant 0 : i32
    %scan3A_21 = arith.constant 16 : i32
    %scan3A_22 = arith.addi %scan3A_20, %scan3A_21 : i32
    %scan3A_23 = arith.constant 1 : i32
    scf.for %scan3A_25 = %scan3A_20 to %scan3A_22 step %scan3A_23  : i32 {
      %mul3A_26 = arith.constant 2 : i32
      %mul3A_27 = arith.muli %mul3A_26, %scan3A_25 : i32
      %add3A_28 = arith.constant 1 : i32
      %add3A_29 = arith.addi %mul3A_27, %add3A_28 : i32
      %mul3A_30 = arith.constant 200 : i32
      %mul3A_31 = arith.muli %mul3A_27, %mul3A_30 : i32
      %dma_wait3A = arith.constant 0 : i32
      %dma_wait3A_32 = arith.constant 0 : i32
      %dma_wait3A_33 = tpu.memref_slice %arg7[%dma_wait3A, %dma_wait3A_32] : memref<200x128xf32, #tpu.memory_space<vmem>> -> memref<104x128xf32, #tpu.memory_space<vmem>>
      %dma_wait3A_34 = tpu.memref_slice %arg6[%mul3A_31] : memref<6400xi32, #tpu.memory_space<vmem>> -> memref<104xi32, #tpu.memory_space<vmem>>
      %dma_wait3A_35 = arith.constant 0 : i32
      %dma_wait3A_36 = arith.constant 0 : i32
      %dma_wait3A_37 = tpu.memref_slice %arg3[%dma_wait3A_35, %dma_wait3A_36] : memref<1000000x128xf32, #tpu.memory_space<hbm>> -> memref<1000000x128xf32, #tpu.memory_space<hbm>>
      tpu.wait_indirect_dma semaphore(%arg9 : memref<!tpu.dma_semaphore, #tpu.memory_space<semaphore_mem>>) src(%dma_wait3A_37 : memref<1000000x128xf32, #tpu.memory_space<hbm>>) dst(%dma_wait3A_33 : memref<104x128xf32, #tpu.memory_space<vmem>>)
      %add3A_38 = arith.constant 104 : i32
      %add3A_39 = arith.addi %mul3A_31, %add3A_38 : i32
      %dma_wait3A_40 = arith.constant 104 : i32
      %dma_wait3A_41 = arith.constant 0 : i32
      %dma_wait3A_42 = tpu.memref_slice %arg7[%dma_wait3A_40, %dma_wait3A_41] : memref<200x128xf32, #tpu.memory_space<vmem>> -> memref<96x128xf32, #tpu.memory_space<vmem>>
      %dma_wait3A_43 = tpu.memref_slice %arg6[%add3A_39] : memref<6400xi32, #tpu.memory_space<vmem>> -> memref<96xi32, #tpu.memory_space<vmem>>
      %dma_wait3A_44 = arith.constant 0 : i32
      %dma_wait3A_45 = arith.constant 0 : i32
      %dma_wait3A_46 = tpu.memref_slice %arg3[%dma_wait3A_44, %dma_wait3A_45] : memref<1000000x128xf32, #tpu.memory_space<hbm>> -> memref<1000000x128xf32, #tpu.memory_space<hbm>>
      tpu.wait_indirect_dma semaphore(%arg9 : memref<!tpu.dma_semaphore, #tpu.memory_space<semaphore_mem>>) src(%dma_wait3A_46 : memref<1000000x128xf32, #tpu.memory_space<hbm>>) dst(%dma_wait3A_42 : memref<96x128xf32, #tpu.memory_space<vmem>>)
      %mul3A_47 = arith.constant 200 : i32
      %mul3A_48 = arith.muli %add3A_29, %mul3A_47 : i32
      %dma_start3A_49 = arith.constant 0 : i32
      %dma_start3A_50 = arith.constant 0 : i32
      %dma_start3A_51 = tpu.memref_slice %arg8[%dma_start3A_49, %dma_start3A_50] : memref<200x128xf32, #tpu.memory_space<vmem>> -> memref<104x128xf32, #tpu.memory_space<vmem>>
      %dma_start3A_52 = tpu.memref_slice %arg6[%mul3A_48] : memref<6400xi32, #tpu.memory_space<vmem>> -> memref<104xi32, #tpu.memory_space<vmem>>
      %dma_start3A_53 = arith.constant 0 : i32
      %dma_start3A_54 = arith.constant 0 : i32
      %dma_start3A_55 = tpu.memref_slice %arg3[%dma_start3A_53, %dma_start3A_54] : memref<1000000x128xf32, #tpu.memory_space<hbm>> -> memref<1000000x128xf32, #tpu.memory_space<hbm>>
      tpu.enqueue_indirect_dma source(%dma_start3A_55 : memref<1000000x128xf32, #tpu.memory_space<hbm>>) target(%dma_start3A_51 : memref<104x128xf32, #tpu.memory_space<vmem>>) offsets(%dma_start3A_52 : memref<104xi32, #tpu.memory_space<vmem>>) semaphore(%arg10 : memref<!tpu.dma_semaphore, #tpu.memory_space<semaphore_mem>>)
      %add3A_56 = arith.constant 104 : i32
      %add3A_57 = arith.addi %mul3A_48, %add3A_56 : i32
      %dma_start3A_58 = arith.constant 104 : i32
      %dma_start3A_59 = arith.constant 0 : i32
      %dma_start3A_60 = tpu.memref_slice %arg8[%dma_start3A_58, %dma_start3A_59] : memref<200x128xf32, #tpu.memory_space<vmem>> -> memref<96x128xf32, #tpu.memory_space<vmem>>
      %dma_start3A_61 = tpu.memref_slice %arg6[%add3A_57] : memref<6400xi32, #tpu.memory_space<vmem>> -> memref<96xi32, #tpu.memory_space<vmem>>
      %dma_start3A_62 = arith.constant 0 : i32
      %dma_start3A_63 = arith.constant 0 : i32
      %dma_start3A_64 = tpu.memref_slice %arg3[%dma_start3A_62, %dma_start3A_63] : memref<1000000x128xf32, #tpu.memory_space<hbm>> -> memref<1000000x128xf32, #tpu.memory_space<hbm>>
      tpu.enqueue_indirect_dma source(%dma_start3A_64 : memref<1000000x128xf32, #tpu.memory_space<hbm>>) target(%dma_start3A_60 : memref<96x128xf32, #tpu.memory_space<vmem>>) offsets(%dma_start3A_61 : memref<96xi32, #tpu.memory_space<vmem>>) semaphore(%arg10 : memref<!tpu.dma_semaphore, #tpu.memory_space<semaphore_mem>>)
      %add3A_65 = arith.addi %mul3A_2, %mul3A_27 : i32
      "tpu.region"() ({
        %run_scoped3A = tpu.sem_alloc : memref<!tpu.dma_semaphore, #tpu.memory_space<semaphore_mem>>
        %dma_start3A_89 = arith.constant 0 : i32
        %dma_start3A_90 = arith.constant 0 : i32
        %dma_start3A_91 = tpu.memref_slice %arg7[%dma_start3A_89, %dma_start3A_90] : memref<200x128xf32, #tpu.memory_space<vmem>> -> memref<200x64xf32, #tpu.memory_space<vmem>>
        %dma_start3A_92 = arith.constant 0 : i32
        %dma_start3A_93 = arith.constant 64 : i32
        %dma_start3A_94 = tpu.memref_slice %arg4[%add3A_65, %dma_start3A_92, %dma_start3A_93] : memref<1024x200x128xf32, #tpu.memory_space<hbm>> -> memref<1x200x64xf32, #tpu.memory_space<hbm>>
        %dma_start3A_95 = tpu.memref_squeeze %dma_start3A_94 : memref<1x200x64xf32, #tpu.memory_space<hbm>> -> memref<200x64xf32, #tpu.memory_space<hbm>>
        %dma_start3A_96 = arith.constant 0 : i32
        %dma_start3A_97 = arith.constant 64 : i32
        %dma_start3A_98 = tpu.memref_slice %arg4[%add3A_65, %dma_start3A_96, %dma_start3A_97] : memref<1024x200x128xf32, #tpu.memory_space<hbm>> -> memref<1x200x64xf32, #tpu.memory_space<hbm>>
        %dma_start3A_99 = tpu.memref_squeeze %dma_start3A_98 : memref<1x200x64xf32, #tpu.memory_space<hbm>> -> memref<200x64xf32, #tpu.memory_space<hbm>>
        %dma_start3A_100 = arith.constant 0 : i32
        %dma_start3A_101 = arith.constant 0 : i32
        %dma_start3A_102 = tpu.memref_slice %arg7[%dma_start3A_100, %dma_start3A_101] : memref<200x128xf32, #tpu.memory_space<vmem>> -> memref<200x64xf32, #tpu.memory_space<vmem>>
        tpu.enqueue_dma source(%dma_start3A_102 : memref<200x64xf32, #tpu.memory_space<vmem>>) target(%dma_start3A_99 : memref<200x64xf32, #tpu.memory_space<hbm>>) target_semaphore(%run_scoped3A : memref<!tpu.dma_semaphore, #tpu.memory_space<semaphore_mem>>)
        %dma_wait3A_103 = arith.constant 0 : i32
        %dma_wait3A_104 = arith.constant 0 : i32
        %dma_wait3A_105 = tpu.memref_slice %arg7[%dma_wait3A_103, %dma_wait3A_104] : memref<200x128xf32, #tpu.memory_space<vmem>> -> memref<200x64xf32, #tpu.memory_space<vmem>>
        %dma_wait3A_106 = arith.constant 0 : i32
        %dma_wait3A_107 = arith.constant 64 : i32
        %dma_wait3A_108 = tpu.memref_slice %arg4[%add3A_65, %dma_wait3A_106, %dma_wait3A_107] : memref<1024x200x128xf32, #tpu.memory_space<hbm>> -> memref<1x200x64xf32, #tpu.memory_space<hbm>>
        %dma_wait3A_109 = tpu.memref_squeeze %dma_wait3A_108 : memref<1x200x64xf32, #tpu.memory_space<hbm>> -> memref<200x64xf32, #tpu.memory_space<hbm>>
        %dma_wait3A_110 = arith.constant 0 : i32
        %dma_wait3A_111 = arith.constant 64 : i32
        %dma_wait3A_112 = tpu.memref_slice %arg4[%add3A_65, %dma_wait3A_110, %dma_wait3A_111] : memref<1024x200x128xf32, #tpu.memory_space<hbm>> -> memref<1x200x64xf32, #tpu.memory_space<hbm>>
        %dma_wait3A_113 = tpu.memref_squeeze %dma_wait3A_112 : memref<1x200x64xf32, #tpu.memory_space<hbm>> -> memref<200x64xf32, #tpu.memory_space<hbm>>
        %dma_wait3A_114 = arith.constant 0 : i32
        %dma_wait3A_115 = arith.constant 0 : i32
        %dma_wait3A_116 = tpu.memref_slice %arg7[%dma_wait3A_114, %dma_wait3A_115] : memref<200x128xf32, #tpu.memory_space<vmem>> -> memref<200x64xf32, #tpu.memory_space<vmem>>
        tpu.wait_dma2 semaphore(%run_scoped3A : memref<!tpu.dma_semaphore, #tpu.memory_space<semaphore_mem>>) src(%dma_wait3A_116 : memref<200x64xf32, #tpu.memory_space<vmem>>) dst(%dma_wait3A_113 : memref<200x64xf32, #tpu.memory_space<hbm>>)
        tpu.yield
      }) : () -> ()
      %mul3A_66 = arith.constant 200 : i32
      %mul3A_67 = arith.muli %add3A_29, %mul3A_66 : i32
      %dma_wait3A_68 = arith.constant 0 : i32
      %dma_wait3A_69 = arith.constant 0 : i32
      %dma_wait3A_70 = tpu.memref_slice %arg8[%dma_wait3A_68, %dma_wait3A_69] : memref<200x128xf32, #tpu.memory_space<vmem>> -> memref<104x128xf32, #tpu.memory_space<vmem>>
      %dma_wait3A_71 = tpu.memref_slice %arg6[%mul3A_67] : memref<6400xi32, #tpu.memory_space<vmem>> -> memref<104xi32, #tpu.memory_space<vmem>>
      %dma_wait3A_72 = arith.constant 0 : i32
      %dma_wait3A_73 = arith.constant 0 : i32
      %dma_wait3A_74 = tpu.memref_slice %arg3[%dma_wait3A_72, %dma_wait3A_73] : memref<1000000x128xf32, #tpu.memory_space<hbm>> -> memref<1000000x128xf32, #tpu.memory_space<hbm>>
      tpu.wait_indirect_dma semaphore(%arg10 : memref<!tpu.dma_semaphore, #tpu.memory_space<semaphore_mem>>) src(%dma_wait3A_74 : memref<1000000x128xf32, #tpu.memory_space<hbm>>) dst(%dma_wait3A_70 : memref<104x128xf32, #tpu.memory_space<vmem>>)
      %add3A_75 = arith.constant 104 : i32
      %add3A_76 = arith.addi %mul3A_67, %add3A_75 : i32
      %dma_wait3A_77 = arith.constant 104 : i32
      %dma_wait3A_78 = arith.constant 0 : i32
      %dma_wait3A_79 = tpu.memref_slice %arg8[%dma_wait3A_77, %dma_wait3A_78] : memref<200x128xf32, #tpu.memory_space<vmem>> -> memref<96x128xf32, #tpu.memory_space<vmem>>
      %dma_wait3A_80 = tpu.memref_slice %arg6[%add3A_76] : memref<6400xi32, #tpu.memory_space<vmem>> -> memref<96xi32, #tpu.memory_space<vmem>>
      %dma_wait3A_81 = arith.constant 0 : i32
      %dma_wait3A_82 = arith.constant 0 : i32
      %dma_wait3A_83 = tpu.memref_slice %arg3[%dma_wait3A_81, %dma_wait3A_82] : memref<1000000x128xf32, #tpu.memory_space<hbm>> -> memref<1000000x128xf32, #tpu.memory_space<hbm>>
      tpu.wait_indirect_dma semaphore(%arg10 : memref<!tpu.dma_semaphore, #tpu.memory_space<semaphore_mem>>) src(%dma_wait3A_83 : memref<1000000x128xf32, #tpu.memory_space<hbm>>) dst(%dma_wait3A_79 : memref<96x128xf32, #tpu.memory_space<vmem>>)
      %add3A_84 = arith.constant 1 : i32
      %add3A_85 = arith.addi %scan3A_25, %add3A_84 : i32
      %lt3A = arith.constant 16 : i32
      %lt3A_86 = arith.cmpi slt, %add3A_85, %lt3A : i32
      %convert_element_type3A = arith.extui %lt3A_86 : i1 to i32
      %cond3A = arith.constant 0 : i32
      %cond3A_87 = arith.cmpi ne, %convert_element_type3A, %cond3A : i32
      scf.if %cond3A_87 {
        %add3A_89 = arith.constant 2 : i32
        %add3A_90 = arith.addi %mul3A_27, %add3A_89 : i32
        %mul3A_91 = arith.constant 200 : i32
        %mul3A_92 = arith.muli %add3A_90, %mul3A_91 : i32
        %dma_start3A_93 = arith.constant 0 : i32
        %dma_start3A_94 = arith.constant 0 : i32
        %dma_start3A_95 = tpu.memref_slice %arg7[%dma_start3A_93, %dma_start3A_94] : memref<200x128xf32, #tpu.memory_space<vmem>> -> memref<104x128xf32, #tpu.memory_space<vmem>>
        %dma_start3A_96 = tpu.memref_slice %arg6[%mul3A_92] : memref<6400xi32, #tpu.memory_space<vmem>> -> memref<104xi32, #tpu.memory_space<vmem>>
        %dma_start3A_97 = arith.constant 0 : i32
        %dma_start3A_98 = arith.constant 0 : i32
        %dma_start3A_99 = tpu.memref_slice %arg3[%dma_start3A_97, %dma_start3A_98] : memref<1000000x128xf32, #tpu.memory_space<hbm>> -> memref<1000000x128xf32, #tpu.memory_space<hbm>>
        tpu.enqueue_indirect_dma source(%dma_start3A_99 : memref<1000000x128xf32, #tpu.memory_space<hbm>>) target(%dma_start3A_95 : memref<104x128xf32, #tpu.memory_space<vmem>>) offsets(%dma_start3A_96 : memref<104xi32, #tpu.memory_space<vmem>>) semaphore(%arg9 : memref<!tpu.dma_semaphore, #tpu.memory_space<semaphore_mem>>)
        %add3A_100 = arith.constant 104 : i32
        %add3A_101 = arith.addi %mul3A_92, %add3A_100 : i32
        %dma_start3A_102 = arith.constant 104 : i32
        %dma_start3A_103 = arith.constant 0 : i32
        %dma_start3A_104 = tpu.memref_slice %arg7[%dma_start3A_102, %dma_start3A_103] : memref<200x128xf32, #tpu.memory_space<vmem>> -> memref<96x128xf32, #tpu.memory_space<vmem>>
        %dma_start3A_105 = tpu.memref_slice %arg6[%add3A_101] : memref<6400xi32, #tpu.memory_space<vmem>> -> memref<96xi32, #tpu.memory_space<vmem>>
        %dma_start3A_106 = arith.constant 0 : i32
        %dma_start3A_107 = arith.constant 0 : i32
        %dma_start3A_108 = tpu.memref_slice %arg3[%dma_start3A_106, %dma_start3A_107] : memref<1000000x128xf32, #tpu.memory_space<hbm>> -> memref<1000000x128xf32, #tpu.memory_space<hbm>>
        tpu.enqueue_indirect_dma source(%dma_start3A_108 : memref<1000000x128xf32, #tpu.memory_space<hbm>>) target(%dma_start3A_104 : memref<96x128xf32, #tpu.memory_space<vmem>>) offsets(%dma_start3A_105 : memref<96xi32, #tpu.memory_space<vmem>>) semaphore(%arg9 : memref<!tpu.dma_semaphore, #tpu.memory_space<semaphore_mem>>)
      } else {
      }
      %add3A_88 = arith.addi %mul3A_2, %add3A_29 : i32
      "tpu.region"() ({
        %run_scoped3A = tpu.sem_alloc : memref<!tpu.dma_semaphore, #tpu.memory_space<semaphore_mem>>
        %dma_start3A_89 = arith.constant 0 : i32
        %dma_start3A_90 = arith.constant 0 : i32
        %dma_start3A_91 = tpu.memref_slice %arg8[%dma_start3A_89, %dma_start3A_90] : memref<200x128xf32, #tpu.memory_space<vmem>> -> memref<200x64xf32, #tpu.memory_space<vmem>>
        %dma_start3A_92 = arith.constant 0 : i32
        %dma_start3A_93 = arith.constant 64 : i32
        %dma_start3A_94 = tpu.memref_slice %arg4[%add3A_88, %dma_start3A_92, %dma_start3A_93] : memref<1024x200x128xf32, #tpu.memory_space<hbm>> -> memref<1x200x64xf32, #tpu.memory_space<hbm>>
        %dma_start3A_95 = tpu.memref_squeeze %dma_start3A_94 : memref<1x200x64xf32, #tpu.memory_space<hbm>> -> memref<200x64xf32, #tpu.memory_space<hbm>>
        %dma_start3A_96 = arith.constant 0 : i32
        %dma_start3A_97 = arith.constant 64 : i32
        %dma_start3A_98 = tpu.memref_slice %arg4[%add3A_88, %dma_start3A_96, %dma_start3A_97] : memref<1024x200x128xf32, #tpu.memory_space<hbm>> -> memref<1x200x64xf32, #tpu.memory_space<hbm>>
        %dma_start3A_99 = tpu.memref_squeeze %dma_start3A_98 : memref<1x200x64xf32, #tpu.memory_space<hbm>> -> memref<200x64xf32, #tpu.memory_space<hbm>>
        %dma_start3A_100 = arith.constant 0 : i32
        %dma_start3A_101 = arith.constant 0 : i32
        %dma_start3A_102 = tpu.memref_slice %arg8[%dma_start3A_100, %dma_start3A_101] : memref<200x128xf32, #tpu.memory_space<vmem>> -> memref<200x64xf32, #tpu.memory_space<vmem>>
        tpu.enqueue_dma source(%dma_start3A_102 : memref<200x64xf32, #tpu.memory_space<vmem>>) target(%dma_start3A_99 : memref<200x64xf32, #tpu.memory_space<hbm>>) target_semaphore(%run_scoped3A : memref<!tpu.dma_semaphore, #tpu.memory_space<semaphore_mem>>)
        %dma_wait3A_103 = arith.constant 0 : i32
        %dma_wait3A_104 = arith.constant 0 : i32
        %dma_wait3A_105 = tpu.memref_slice %arg8[%dma_wait3A_103, %dma_wait3A_104] : memref<200x128xf32, #tpu.memory_space<vmem>> -> memref<200x64xf32, #tpu.memory_space<vmem>>
        %dma_wait3A_106 = arith.constant 0 : i32
        %dma_wait3A_107 = arith.constant 64 : i32
        %dma_wait3A_108 = tpu.memref_slice %arg4[%add3A_88, %dma_wait3A_106, %dma_wait3A_107] : memref<1024x200x128xf32, #tpu.memory_space<hbm>> -> memref<1x200x64xf32, #tpu.memory_space<hbm>>
        %dma_wait3A_109 = tpu.memref_squeeze %dma_wait3A_108 : memref<1x200x64xf32, #tpu.memory_space<hbm>> -> memref<200x64xf32, #tpu.memory_space<hbm>>
        %dma_wait3A_110 = arith.constant 0 : i32
        %dma_wait3A_111 = arith.constant 64 : i32
        %dma_wait3A_112 = tpu.memref_slice %arg4[%add3A_88, %dma_wait3A_110, %dma_wait3A_111] : memref<1024x200x128xf32, #tpu.memory_space<hbm>> -> memref<1x200x64xf32, #tpu.memory_space<hbm>>
        %dma_wait3A_113 = tpu.memref_squeeze %dma_wait3A_112 : memref<1x200x64xf32, #tpu.memory_space<hbm>> -> memref<200x64xf32, #tpu.memory_space<hbm>>
        %dma_wait3A_114 = arith.constant 0 : i32
        %dma_wait3A_115 = arith.constant 0 : i32
        %dma_wait3A_116 = tpu.memref_slice %arg8[%dma_wait3A_114, %dma_wait3A_115] : memref<200x128xf32, #tpu.memory_space<vmem>> -> memref<200x64xf32, #tpu.memory_space<vmem>>
        tpu.wait_dma2 semaphore(%run_scoped3A : memref<!tpu.dma_semaphore, #tpu.memory_space<semaphore_mem>>) src(%dma_wait3A_116 : memref<200x64xf32, #tpu.memory_space<vmem>>) dst(%dma_wait3A_113 : memref<200x64xf32, #tpu.memory_space<hbm>>)
        tpu.yield
      }) : () -> ()
    }
    %scan3A_24 = arith.constant 16 : i32
    return
  }
}

module attributes {stable_mosaic.version = 14 : i64} {
  func.func @_sort_body(%arg0: memref<1x1024xi32, #tpu.memory_space<vmem>>, %arg1: memref<1024x1xi32, #tpu.memory_space<vmem>>, %arg2: memref<1024x200xf32, #tpu.memory_space<vmem>>, %arg3: memref<1024x1xi32, #tpu.memory_space<vmem>>, %arg4: memref<1024x1xi32, #tpu.memory_space<vmem>>, %arg5: memref<1024x1xi32, #tpu.memory_space<vmem>>, %arg6: memref<1024x200xi32, #tpu.memory_space<vmem>>) attributes {dimension_semantics = [], scalar_prefetch = 0 : i64, scratch_operands = 0 : i64, tpu.core_type = #tpu.core_type<tc>} {
    %get3A = arith.constant 0 : index
    %get3A_0 = arith.constant 0 : index
    %get3A_1 = vector.load %arg0[%get3A, %get3A_0] : memref<1x1024xi32, #tpu.memory_space<vmem>>, vector<1x1024xi32>
    %get3A_2 = arith.constant 0 : index
    %get3A_3 = arith.constant 0 : index
    %get3A_4 = vector.load %arg1[%get3A_2, %get3A_3] : memref<1024x1xi32, #tpu.memory_space<vmem>>, vector<1024x1xi32>
    %iota3A = tpu.iota {dimensions = array<i32: 0>} : vector<1024x1024xi32>
    %iota3A_5 = tpu.iota {dimensions = array<i32: 1>} : vector<1024x1024xi32>
    %gt3A = vector.broadcast %get3A_1 : vector<1x1024xi32> to vector<1024x1024xi32>
    %gt3A_6 = vector.broadcast %get3A_4 : vector<1024x1xi32> to vector<1024x1024xi32>
    %gt3A_7 = arith.cmpi sgt, %gt3A, %gt3A_6 : vector<1024x1024xi32>
    %eq3A = vector.broadcast %get3A_1 : vector<1x1024xi32> to vector<1024x1024xi32>
    %eq3A_8 = vector.broadcast %get3A_4 : vector<1024x1xi32> to vector<1024x1024xi32>
    %eq3A_9 = arith.cmpi eq, %eq3A, %eq3A_8 : vector<1024x1024xi32>
    %lt3A = arith.cmpi slt, %iota3A_5, %iota3A : vector<1024x1024xi32>
    %and3A = arith.andi %eq3A_9, %lt3A : vector<1024x1024xi1>
    %or3A = arith.ori %gt3A_7, %and3A : vector<1024x1024xi1>
    %convert_element_type3A = arith.extui %or3A : vector<1024x1024xi1> to vector<1024x1024xi32>
    %reduce_sum3A = arith.constant dense<0> : vector<1024xi32>
    %reduce_sum3A_10 = vector.multi_reduction <add>, %convert_element_type3A, %reduce_sum3A [1] : vector<1024x1024xi32> to vector<1024xi32>
    %broadcast_in_dim3A = vector.shape_cast %reduce_sum3A_10 : vector<1024xi32> to vector<1024x1xi32>
    %swap3A = arith.constant 0 : index
    %swap3A_11 = arith.constant 0 : index
    %swap3A_12 = vector.load %arg3[%swap3A, %swap3A_11] : memref<1024x1xi32, #tpu.memory_space<vmem>>, vector<1024x1xi32>
    tpu.vector_store %arg3[%swap3A, %swap3A_11], %broadcast_in_dim3A {strides = array<i32>} : memref<1024x1xi32, #tpu.memory_space<vmem>>, vector<1024x1xi32>,
    %gt3A_13 = vector.broadcast %get3A_4 : vector<1024x1xi32> to vector<1024x1024xi32>
    %gt3A_14 = vector.broadcast %get3A_1 : vector<1x1024xi32> to vector<1024x1024xi32>
    %gt3A_15 = arith.cmpi sgt, %gt3A_13, %gt3A_14 : vector<1024x1024xi32>
    %eq3A_16 = vector.broadcast %get3A_4 : vector<1024x1xi32> to vector<1024x1024xi32>
    %eq3A_17 = vector.broadcast %get3A_1 : vector<1x1024xi32> to vector<1024x1024xi32>
    %eq3A_18 = arith.cmpi eq, %eq3A_16, %eq3A_17 : vector<1024x1024xi32>
    %lt3A_19 = arith.cmpi slt, %iota3A, %iota3A_5 : vector<1024x1024xi32>
    %and3A_20 = arith.andi %eq3A_18, %lt3A_19 : vector<1024x1024xi1>
    %or3A_21 = arith.ori %gt3A_15, %and3A_20 : vector<1024x1024xi1>
    %convert_element_type3A_22 = arith.extui %or3A_21 : vector<1024x1024xi1> to vector<1024x1024xi32>
    %reduce_sum3A_23 = arith.constant dense<0> : vector<1024xi32>
    %reduce_sum3A_24 = vector.multi_reduction <add>, %convert_element_type3A_22, %reduce_sum3A_23 [0] : vector<1024x1024xi32> to vector<1024xi32>
    %broadcast_in_dim3A_25 = vector.shape_cast %reduce_sum3A_24 : vector<1024xi32> to vector<1x1024xi32>
    %eq3A_26 = vector.broadcast %broadcast_in_dim3A_25 : vector<1x1024xi32> to vector<1024x1024xi32>
    %eq3A_27 = arith.cmpi eq, %iota3A, %eq3A_26 : vector<1024x1024xi32>
    %jit3A = arith.constant 0 : i32
    %broadcast_in_dim3A_28 = vector.broadcast %jit3A : i32 to vector<1024x1024xi32>
    %select_n3A = arith.select %eq3A_27, %iota3A_5, %broadcast_in_dim3A_28 : vector<1024x1024xi1>, vector<1024x1024xi32>
    %reduce_sum3A_29 = arith.constant dense<0> : vector<1024xi32>
    %reduce_sum3A_30 = vector.multi_reduction <add>, %select_n3A, %reduce_sum3A_29 [1] : vector<1024x1024xi32> to vector<1024xi32>
    %broadcast_in_dim3A_31 = vector.shape_cast %reduce_sum3A_30 : vector<1024xi32> to vector<1024x1xi32>
    %swap3A_32 = arith.constant 0 : index
    %swap3A_33 = arith.constant 0 : index
    %swap3A_34 = vector.load %arg5[%swap3A_32, %swap3A_33] : memref<1024x1xi32, #tpu.memory_space<vmem>>, vector<1024x1xi32>
    tpu.vector_store %arg5[%swap3A_32, %swap3A_33], %broadcast_in_dim3A_31 {strides = array<i32>} : memref<1024x1xi32, #tpu.memory_space<vmem>>, vector<1024x1xi32>,
    %jit3A_35 = arith.constant 0 : i32
    %broadcast_in_dim3A_36 = vector.shape_cast %get3A_1 : vector<1x1024xi32> to vector<1x1024xi32>
    %broadcast_in_dim3A_37 = vector.broadcast %broadcast_in_dim3A_36 : vector<1x1024xi32> to vector<1024x1024xi32>
    %broadcast_in_dim3A_38 = vector.broadcast %jit3A_35 : i32 to vector<1024x1024xi32>
    %select_n3A_39 = arith.select %eq3A_27, %broadcast_in_dim3A_37, %broadcast_in_dim3A_38 : vector<1024x1024xi1>, vector<1024x1024xi32>
    %reduce_sum3A_40 = arith.constant dense<0> : vector<1024xi32>
    %reduce_sum3A_41 = vector.multi_reduction <add>, %select_n3A_39, %reduce_sum3A_40 [1] : vector<1024x1024xi32> to vector<1024xi32>
    %broadcast_in_dim3A_42 = vector.shape_cast %reduce_sum3A_41 : vector<1024xi32> to vector<1024x1xi32>
    %swap3A_43 = arith.constant 0 : index
    %swap3A_44 = arith.constant 0 : index
    %swap3A_45 = vector.load %arg4[%swap3A_43, %swap3A_44] : memref<1024x1xi32, #tpu.memory_space<vmem>>, vector<1024x1xi32>
    tpu.vector_store %arg4[%swap3A_43, %swap3A_44], %broadcast_in_dim3A_42 {strides = array<i32>} : memref<1024x1xi32, #tpu.memory_space<vmem>>, vector<1024x1xi32>,
    %convert_element_type3A_46 = arith.extui %eq3A_27 : vector<1024x1024xi1> to vector<1024x1024xi32>
    %convert_element_type3A_47 = arith.sitofp %convert_element_type3A_46 : vector<1024x1024xi32> to vector<1024x1024xf32>
    %get3A_48 = arith.constant 0 : index
    %get3A_49 = arith.constant 0 : index
    %get3A_50 = vector.load %arg2[%get3A_48, %get3A_49] : memref<1024x200xf32, #tpu.memory_space<vmem>>, vector<1024x200xf32>
    %dot_general3A = arith.constant dense<0.000000e+00> : vector<1024x200xf32>
    %dot_general3A_51 = tpu.matmul %convert_element_type3A_47, %get3A_50, %dot_general3A {dimension_numbers = #tpu.dot_dimension_numbers<[1], [0], [0], [1], [0, 0, 1, 1], [], []>, precision = #tpu.contract_precision<fp32>, transpose_lhs_hint = false} : vector<1024x1024xf32>, vector<1024x200xf32>, vector<1024x200xf32> -> vector<1024x200xf32>
    %convert_element_type3A_52 = arith.fptosi %dot_general3A_51 : vector<1024x200xf32> to vector<1024x200xi32>
    %swap3A_53 = arith.constant 0 : index
    %swap3A_54 = arith.constant 0 : index
    %swap3A_55 = vector.load %arg6[%swap3A_53, %swap3A_54] : memref<1024x200xi32, #tpu.memory_space<vmem>>, vector<1024x200xi32>
    tpu.vector_store %arg6[%swap3A_53, %swap3A_54], %convert_element_type3A_52 {strides = array<i32>} : memref<1024x200xi32, #tpu.memory_space<vmem>>, vector<1024x200xi32>,
    return
  }
}

</mosaic_0001>

<sc_bundles>
// kernel: _run.5.cloned.1.call-start
scs
__scs_entry_jumppad:
0x0: {  	(pc) =	sbr.rel $0x88, $3  }
0x1: {  	(tag) =	ssettag $0x0;
	lr =	simm.s32 $0x1  }
0x2: {  	[smem:$0x3F9D] =	sst lr;
	_ =	strace $0xD0000000  }
0x3: {  	_ = 	snop  }
0x4: {  	_ = 	snop  }
0x5: {  	_ = 	snop  }
0x6: {  	_ = 	snop  }
0x7: {  	_ = 	snop  }
__scs_overlays_trampoline_lowered:
0x8: {  	[smem:$0x3FAC] =	sst s0  }
0x9: {  	[smem:$0x3FAD] =	sst s1  }
0xa: {  	[smem:$0x3FAE] =	sst s2  }
0xb: {  	[smem:$0x3FAF] =	sst s3  }
0xc: {  	[smem:$0x3FB0] =	sst s4  }
0xd: {  	[smem:$0x3FB1] =	sst s5  }
0xe: {  	[smem:$0x3FB2] =	sst s6  }
0xf: {  	[smem:$0x3FB3] =	sst s7  }
0x10: {  	[smem:$0x3FB4] =	sst s8  }
0x11: {  	[smem:$0x3FB5] =	sst s9;
	s0 =	simm.s32 @!p0 $0x0  }
0x12: {  	s1 =	sld [smem:$0x3F9B];
	s0 =	simm.s32 @p0 $0x1  }
0x13: {  	[smem:$0x3FB6] =	sst s0;
	s0 =	simm.s32 @!p1 $0x0  }
0x14: {  	s2 =	sld [smem:$0x3F9A];
	s0 =	simm.s32 @p1 $0x1  }
0x15: {  	[smem:$0x3FB7] =	sst s0;
	s0 =	simm.s32 @!p2 $0x0  }
0x16: {  	s3 =	sld [smem:$0x3FDB];
	s0 =	simm.s32 @p2 $0x1  }
0x17: {  	s4 =	simm.s32 $0x1BF5;
	[smem:$0x3FB9] =	sst s0  }
0x18: {  	s0 =	sld [smem:$0x3F9C];
	_ =	swait.ge [sflag:s4], $0x0  }
0x19: {  	s7 =	sld [smem:$0x3F9D]  }
0x1a: {  	s8 =	sadd.s32 $0xFFFFE003, lr  }
0x1b: {  	s9 =	sadd.s32 $0xFFFFFEF7, lr;
	s5 =	simm.s32 $0xFFFFFFFF;
	p2 =	slt.u32 s8, $0xFFFFF086  }
0x1c: {  	p1 =	slt.u32 s9, $0xF7A;
	s5 =	simm.s32 @!p2 $0x0  }
0x1d: {  	s5 =	simm.s32 @p1 $0x1;
	p0 =	seq.s32 s7, s2  }
0x1e: {  	s7 =	smul.u32 @!p0 $0xF7A, s2;
	p2 =	seq.s32 @!p0 s5, $0x0  }
0x1f: {  	s9 =	smul.u32 $0xF7A, s1;
	s8 =	simm.s32 @!p0 $0x1BF5;
	p2 =	por !p2, p0  }
0x20: {  	[sflag:s8] =	ssyncset.s32 @!p0 $0xFFFFF086;
	s6 =	sadd.s32 @!p0 s3, s7;
	s7 =	simm.s32 @!p0 $0x108  }
0x21: {  	s3 =	sadd.s32 s3, s9;
	s6 =	sadd.s32 @!p0 $0x88, s6;
	s7 =	simm.s32 @p2 $0x1082  }
0x22: {  	[simem:s7], [sflag:s8] =	dma.local @!p0 [hbm:s6], $0xF7A  }
0x23: {  	s9 =	sor.u32 $0xD0000000, s2;
	s6 =	simm.s32 $0x108;
	_ =	swait.ge @!p0 [sflag:s8], $0x0  }
0x24: {  	s3 =	sadd.s32 $0x88, s3;
	s6 =	simm.s32 @!p1 $0x1082;
	[sflag:s4] =	ssyncset.s32 $0xFFFFF086  }
0x25: {  	[simem:s6], [sflag:s4] =	dma.local [hbm:s3], $0xF7A  }
0x26: {  	[smem:$0x3F9D] =	sst s1;
	(tag) =	ssettag s2;
	_ =	strace s9  }
0x27: {  	s1 =	sld [smem:$0x3FAD]  }
0x28: {  	s2 =	sld [smem:$0x3FAE]  }
0x29: {  	s4 =	sld [smem:$0x3FB0]  }
0x2a: {  	p0 =	seq.s32 s5, $0x0;
	s5 =	sld [smem:$0x3FB1]  }
0x2b: {  	s6 =	sld [smem:$0x3FB2]  }
0x2c: {  	s7 =	sld [smem:$0x3FB3]  }
0x2d: {  	s3 =	simm.s32 $0x108;
	s8 =	sld [smem:$0x3FB4]  }
0x2e: {  	s3 =	simm.s32 @!p0 $0x1082;
	s9 =	sld [smem:$0x3FB5]  }
0x2f: {  	lr =	sadd.s32 s0, s3;
	s0 =	sld [smem:$0x3FAC]  }
0x30: {  	s3 =	sld [smem:$0x3FAF]  }
0x31: {  	[smem:$0x3FB8] =	sst s10  }
0x32: {  	s10 =	sld [smem:$0x3FB6];
	_ =	sdelay $0x3  }
0x33: {  	p0 =	seq.s32 s10, $0x1;
	s10 =	sld [smem:$0x3FB8];
	_ =	sdelay $0x3  }
0x34: {  	[smem:$0x3FB8] =	sst s10  }
0x35: {  	s10 =	sld [smem:$0x3FB7];
	_ =	sdelay $0x3  }
0x36: {  	p1 =	seq.s32 s10, $0x1;
	s10 =	sld [smem:$0x3FB8];
	_ =	sdelay $0x3  }
0x37: {  	[smem:$0x3FB8] =	sst s10  }
0x38: {  	s10 =	sld [smem:$0x3FB9]  }
0x39: {  	_ = 	snop;
	(pc) =	sbr.ind lr, $3  }
0x3a: {  	_ = 	snop  }
0x3b: {  	_ = 	snop  }
0x3c: {  	p2 =	seq.s32 s10, $0x1;
	s10 =	sld [smem:$0x3FB8]  }
0x3d: {  	_ =	shalt  }
0x3e: {  	_ =	shalt  }
0x3f: {  	_ =	shalt  }
0x40: {  	_ =	shalt  }
0x41: {  	_ =	shalt  }
0x42: {  	_ =	shalt  }
0x43: {  	_ =	shalt  }
0x44: {  	_ =	shalt  }
0x45: {  	_ =	shalt  }
0x46: {  	_ =	shalt  }
0x47: {  	_ =	shalt  }
0x48: {  	_ =	shalt  }
0x49: {  	_ =	shalt  }
0x4a: {  	_ =	shalt  }
0x4b: {  	_ =	shalt  }
0x4c: {  	_ =	shalt  }
0x4d: {  	_ =	shalt  }
0x4e: {  	_ =	shalt  }
0x4f: {  	_ =	shalt  }
0x50: {  	_ =	shalt  }
0x51: {  	_ =	shalt  }
0x52: {  	_ =	shalt  }
0x53: {  	_ =	shalt  }
0x54: {  	_ =	shalt  }
0x55: {  	_ =	shalt  }
0x56: {  	_ =	shalt  }
0x57: {  	_ =	shalt  }
0x58: {  	_ =	shalt  }
0x59: {  	_ =	shalt  }
0x5a: {  	_ =	shalt  }
0x5b: {  	_ =	shalt  }
0x5c: {  	_ =	shalt  }
0x5d: {  	_ =	shalt  }
0x5e: {  	_ =	shalt  }
0x5f: {  	_ =	shalt  }
0x60: {  	_ =	shalt  }
0x61: {  	_ =	shalt  }
0x62: {  	_ =	shalt  }
0x63: {  	_ =	shalt  }
0x64: {  	_ =	shalt  }
0x65: {  	_ =	shalt  }
0x66: {  	_ =	shalt  }
0x67: {  	_ =	shalt  }
0x68: {  	_ =	shalt  }
0x69: {  	_ =	shalt  }
0x6a: {  	_ =	shalt  }
0x6b: {  	_ =	shalt  }
0x6c: {  	_ =	shalt  }
0x6d: {  	_ =	shalt  }
0x6e: {  	_ =	shalt  }
0x6f: {  	_ =	shalt  }
0x70: {  	_ =	shalt  }
0x71: {  	_ =	shalt  }
0x72: {  	_ =	shalt  }
0x73: {  	_ =	shalt  }
0x74: {  	_ =	shalt  }
0x75: {  	_ =	shalt  }
0x76: {  	_ =	shalt  }
0x77: {  	_ =	shalt  }
0x78: {  	_ =	shalt  }
0x79: {  	_ =	shalt  }
0x7a: {  	_ =	shalt  }
0x7b: {  	_ =	shalt  }
0x7c: {  	_ =	shalt  }
0x7d: {  	_ =	shalt  }
0x7e: {  	_ =	shalt  }
0x7f: {  	_ =	shalt  }
0x80: {  	_ =	shalt  }
0x81: {  	_ =	shalt  }
0x82: {  	_ =	shalt  }
0x83: {  	_ =	shalt  }
0x84: {  	_ =	shalt  }
0x85: {  	_ =	shalt  }
0x86: {  	_ =	shalt  }
0x87: {  	_ =	shalt  }
.Lfunc_end0:
.L_simem_size_0:
called_computation_lowered:
.L_overlay_start_0:
0x88: {  	s2 =	sld [smem:$0x3FD9]  }
0x89: {  	s3 =	sld [smem:$0x3FFE];
	_ =	sdelay $0x1  }
0x8a: {  	s1 =	srdreg.scid  }
0x8b: {  	s0 =	sand.u32 $0x1, s1  }
0x8c: {  	s14 =	sshll.u32 s0, $0xA;
	s2 =	sadd.s32 s3, s2  }
0x8d: {  	s2 =	sadd.s32 s2, s14  }
0x8e: {  	[smem:$0x3FC4] =	sst s2  }
0x8f: {  	_ = 	snop  }
0x90: {  	s2 =	sld [smem:$0x3FD0];
	_ =	sdelay $0x2  }
0x91: {  	s15 =	simm.s32 $0xA;
	s4 =	simm.s32 $0x10  }
0x92: {  	[smem:s4], [sflag:s15] =	dma.local [hbm:s2], $0x1  }
0x93: {  	_ =	swait.eq [sflag:s15], $0x1  }
0x94: {  	[sflag:s15] =	ssyncset.done $0x0  }
0x95: {  	[sflag:s15] =	ssyncadd.s32 $0xFFFFFFFF  }
0x96: {  	s16 =	sld [smem:$0x10];
	(tm) =	ssettm $0x1  }
0x97: {  	s17 =	sld [smem:$0x3FFB];
	_ =	sdelay $0x3  }
0x98: {  	_ =	strace s17  }
0x99: {  	s3 =	sld [smem:$0x3FFC];
	_ =	sdelay $0x3  }
0x9a: {  	_ =	strace s3  }
0x9b: {  	s3 =	sld [smem:$0x3FFD];
	_ =	sdelay $0x3  }
0x9c: {  	_ =	strace s3  }
0x9d: {  	_ =	strace $0x8FFFFFFF  }
0x9e: {  	s18 =	sld [smem:$0x3FDB];
	_ =	sdelay $0x1  }
0x9f: {  	s19 =	simm.s32 $_scs_section_size  }
0xa0: {  	s5 =	simm.s32 $_size__tile_overlayer_lowered;
	s6 =	simm.s32 $_tile_overlayer_lowered  }
0xa1: {  	s22 =	simm.s32 $0x1BFF;
	s21 =	sshll.u32 s6, $0x1;
	s3 =	sadd.s32 s19, s18  }
0xa2: {  	s7 =	simm.s32 $0x0;
	s20 =	sshll.u32 s5, $0x1;
	s5 =	sadd.s32 s21, s3  }
0xa3: {  	[timem:s7], [sflag:s22] =	dma.local [hbm:s5], s20  }
0xa4: {  	_ =	swait.ge [sflag:s22], s20  }
0xa5: {  	s4 =	ssub.s32 $0x0, s20;
	[sflag:s22] =	ssyncset.done $0x0  }
0xa6: {  	[sflag:s22] =	ssyncadd.s32 s4;
	_ =	sdelay $0x1  }
0xa7: {  	s23 =	simm.s32 $0x1B8B  }
0xa8: {  	_ =	swait.ge [sflag:s23], $0x1  }
0xa9: {  	[sflag:s23] =	ssyncset.done $0x0  }
0xaa: {  	s25 =	simm.s32 $0x1B8E;
	s24 =	sld [smem:$0x3FFE];
	[sflag:s23] =	ssyncadd.s32 $0xFFFFFFFF  }
0xab: {  	s26 =	simm.s32 $execute0_lowered;
	[smem:$0x3FD2] =	sst s25  }
0xac: {  	s5 =	sshll.u32 s26, $0x1;
	_ =	strace $0x80000046;
	[dreg:$0x1] =	wrdreg $0xFFFFFFFF  }
0xad: {  	s28 =	simm.s32 $_size_execute0_lowered;
	s3 =	sadd.s32 s3, s5;
	[dreg:$0x0] =	wrdreg $0x0  }
0xae: {  	s5 =	sshll.u32 s28, $0x1;
	[dreg:$0x2] =	wrdreg s3  }
0xaf: {  	[dreg:$0x3] =	wrdreg s5  }
0xb0: {  	[dreg:$0x4] =	wrdreg $0xC0  }
0xb1: {  	_ =	task [dreg:s7], $0x5FFFF  }
0xb2: {  	[dreg:$0x1] =	wrdreg $0xFFFFFFFF  }
0xb3: {  	[dreg:$0x0] =	wrdreg $0x60  }
0xb4: {  	[dreg:$0x2] =	wrdreg s24  }
0xb5: {  	[dreg:$0x3] =	wrdreg s16  }
0xb6: {  	[dreg:$0x4] =	wrdreg $0x9  }
0xb7: {  	_ =	task.clear_ibuf [dreg:s7], $0x5FFFF;
	_ =	strace $0x90000046  }
0xb8: {  	s29 =	simm.s32 $0x9;
	_ =	strace $0x80000048  }
0xb9: {  	_ =	swait.ge [sflag:s29], $0x1  }
0xba: {  	[sflag:s29] =	ssyncadd.s32 $0xFFFFFFFF  }
0xbb: {  	_ =	strace $0x90000048  }
0xbc: {  	_ =	sfence  }
0xbd: {  	s30 =	sld [smem:$0x0];
	_ =	sdelay $0x2  }
0xbe: {  	s31 =	sshll.u32 s1, $0xD;
	s1 =	sshrl.u32 s1, $0x2  }
0xbf: {  	s3 =	sand.u32 $0x4000, s31;
	s1 =	sadd.s32 s1, s30  }
0xc0: {  	s0 =	sor.u32 s3, s0;
	s1 =	sshll.u32 s1, $0x11  }
0xc1: {  	s0 =	sor.u32 s1, s0  }
0xc2: {  	s0 =	sadd.s32 $0x8F2B, s0  }
0xc3: {  	[sflag:s0] =	ssyncadd.remote.s32 $0x1  }
0xc4: {  	_ =	sfence.sel $0xFFFF  }
0xc5: {  	[dreg:$0x0] =	wrdreg $0xFFFFFFFF;
	(pc) =	sbr.abs _section_cstart, $3  }
0xc6: {  	[dreg:$0x1] =	wrdreg $0xFFFFFFFF  }
0xc7: {  	_ =	task.clear_ibuf [dreg:s7], $0x2FFFF;
	_ =	strace $0x9FFFFFFF  }
0xc8: {  	(tm) =	ssettm $0x7FFFFFFF  }
0xc9: {  	_ =	shalt  }
tec
execute0_lowered:
.L_overlay_start_1:
0x0: {  	(tag) =	ssettag $0x1  }
0x1: {  	s3 =	rddreg [dreg:$0x0]  }
0x2: {  	s6 =	rddreg [dreg:$0x1]  }
0x3: {  	s0 =	rddreg [dreg:$0x2]  }
0x4: {  	s4 =	srdreg.scid;
	s2 =	simm.s32 $0x0;
	s1 =	stileid.u32  }
0x5: {  	s12 =	simm.s32 $0x3300;
	s13 =	simm.s32 $0x40;
	s14 =	simm.s32 $0x80  }
0x6: {  	s15 =	simm.s32 $0x2;
	s16 =	simm.s32 $0xF8;
	s17 =	simm.s32 $0x0  }
0x7: {  	s5 =	sand.u32 $0x1, s4;
	[smem:$0x7FF] =	sst s2;
	s28 =	sshll.u32 s1, $0x6  }
0x8: {  	s10 =	smul.u32 $0x32000, s1;
	s7 =	sshll.u32 s5, $0x5;
	_ =	strace $0x80000047  }
0x9: {  	s8 =	ssub.s32 $0x2, s5;
	s11 =	smul.u32 $0x19000, s5;
	s4 =	sor.u32 s7, s28  }
0xa: {  	s29 =	sshrl.u32 s8, $0x1;
	s31 =	sadd.s32 s10, s6;
	s10 =	simm.s32 $0x1  }
0xb: {  	s7 =	sadd.s32 s4, s3;
	s9 =	smul.u32 $0xC80, s4;
	s8 =	ssub.s32 s8, s29  }
0xc: {  	s3 =	sadd.s32 $0x11000, s3;
	s4 =	sadd.s32 $0x10C00, s7;
	s5 =	smax.u32 s8, $0x1  }
0xd: {  	s8 =	sadd.s32 s11, s31;
	s11 =	simm.s32 $0x100;
	s30 =	sadd.s32 s6, s9  }
0xe: {  	s9 =	simm.s32 $0x3;
	s6 =	sadd.s32 $0x17700, s30;
	s7 =	sadd.s32 $0x18380, s30  }
.LBB2_1:
0xf: {  	[tilespmem:s2], [sflag:$0x3] =	stream.linear.gather [hbm4b:s4+s2], $0x100, $0x38;
	[tilespmem:$0x6500] =	vst v63  }
0x10: {  	_ =	swait.ge [sflag:s9], $0x100  }
0x11: {  	[sflag:s9] =	ssyncset.done $0x0  }
0x12: {  	[sflag:s9] =	ssyncadd.s32 $0xFFFFFF00  }
0x13: {  	[tilespmem:s11], [sflag:$0x1] =	stream.indirect.gather [hbm4b:s3+s10], $0x3200, s2, s10, $0xb8;
	[tilespmem:$0x6500] =	vst v63  }
0x14: {  	_ =	swait.ge [sflag:s10], $0x3200  }
0x15: {  	[sflag:s10] =	ssyncset.done $0x0  }
0x16: {  	s18 =	simm.s32 $0x8;
	[sflag:s10] =	ssyncadd.s32 $0xFFFFCE00  }
0x17: {  	[tilespmem:s12], [sflag:$0x2] =	stream.indirect.gather [hbm4b:s3+s10], $0x3200, s18, s10, $0xb8;
	[tilespmem:$0x6500] =	vst v63  }
0x18: {  	s19 =	sadd.s32 $0x0, s8  }
0x19: {  	[hbm4b:s19+s13] =	stream.strided.scatter [tilespmem:s11], [sflag:$0x3], $0x3200, s14, s13, $0x38;
	[tilespmem:$0x6500] =	vst v63  }
0x1a: {  	_ =	swait.ge [sflag:s9], $0x3200  }
0x1b: {  	[sflag:s9] =	ssyncset.done $0x0  }
0x1c: {  	[sflag:s9] =	ssyncadd.s32 $0xFFFFCE00  }
0x1d: {  	_ =	swait.ge [sflag:s15], $0x3200  }
0x1e: {  	[sflag:s15] =	ssyncset.done $0x0  }
0x1f: {  	s18 =	simm.s32 $0x10;
	[sflag:s15] =	ssyncadd.s32 $0xFFFFCE00  }
0x20: {  	[tilespmem:s11], [sflag:$0x1] =	stream.indirect.gather [hbm4b:s3+s10], $0x3200, s18, s10, $0xb8;
	[tilespmem:$0x6500] =	vst v63  }
0x21: {  	s19 =	sadd.s32 $0xC80, s19  }
0x22: {  	[hbm4b:s19+s13] =	stream.strided.scatter [tilespmem:s12], [sflag:$0x3], $0x3200, s14, s13, $0x38;
	[tilespmem:$0x6500] =	vst v63  }
0x23: {  	_ =	swait.ge [sflag:s9], $0x3200  }
0x24: {  	s19 =	simm.s32 $0x1900;
	[sflag:s9] =	ssyncset.done $0x0  }
.LBB2_2:
0x25: {  	p0 =	sne.s32 s19, $0x15E00;
	[sflag:s9] =	ssyncadd.s32 $0xFFFFCE00;
	s18 =	sadd.s32 $0x10, s18  }
0x26: {  	s20 =	smov.u32 s19;
	s19 =	sadd.s32 $0x1900, s19  }
0x27: {  	_ =	swait.ge [sflag:s10], $0x3200  }
0x28: {  	[sflag:s10] =	ssyncset.done $0x0  }
0x29: {  	s21 =	sadd.s32 $0xFFFFFFF8, s18;
	[sflag:s10] =	ssyncadd.s32 $0xFFFFCE00  }
0x2a: {  	[tilespmem:s12], [sflag:$0x2] =	stream.indirect.gather [hbm4b:s3+s10], $0x3200, s21, s10, $0xb8;
	[tilespmem:$0x6500] =	vst v63  }
0x2b: {  	s20 =	sadd.s32 s20, s8  }
0x2c: {  	[hbm4b:s20+s13] =	stream.strided.scatter [tilespmem:s11], [sflag:$0x3], $0x3200, s14, s13, $0x38;
	[tilespmem:$0x6500] =	vst v63  }
0x2d: {  	_ =	swait.ge [sflag:s9], $0x3200  }
0x2e: {  	[sflag:s9] =	ssyncset.done $0x0  }
0x2f: {  	[sflag:s9] =	ssyncadd.s32 $0xFFFFCE00  }
0x30: {  	_ =	swait.ge [sflag:s15], $0x3200  }
0x31: {  	[sflag:s15] =	ssyncset.done $0x0  }
0x32: {  	[sflag:s15] =	ssyncadd.s32 $0xFFFFCE00  }
0x33: {  	[tilespmem:s11], [sflag:$0x1] =	stream.indirect.gather [hbm4b:s3+s10], $0x3200, s18, s10, $0xb8;
	[tilespmem:$0x6500] =	vst v63  }
.Ltmp0:
0x34: {  	_ = 	snop;
	(pc) =	sbr.rel @p0 .LBB2_2-.Ltmp0, $4  }
0x35: {  	s20 =	sadd.s32 $0xC80, s20  }
0x36: {  	[hbm4b:s20+s13] =	stream.strided.scatter [tilespmem:s12], [sflag:$0x3], $0x3200, s14, s13, $0x38;
	[tilespmem:$0x6500] =	vst v63  }
0x37: {  	_ =	swait.ge [sflag:s9], $0x3200  }
0x38: {  	[sflag:s9] =	ssyncset.done $0x0  }
0x39: {  	[sflag:s9] =	ssyncadd.s32 $0xFFFFCE00  }
0x3a: {  	_ =	swait.ge [sflag:s10], $0x3200  }
0x3b: {  	[sflag:s10] =	ssyncset.done $0x0  }
0x3c: {  	[sflag:s10] =	ssyncadd.s32 $0xFFFFCE00  }
0x3d: {  	[tilespmem:s12], [sflag:$0x2] =	stream.indirect.gather [hbm4b:s3+s10], $0x3200, s16, s10, $0xb8;
	[tilespmem:$0x6500] =	vst v63  }
0x3e: {  	_ = 	snop  }
0x3f: {  	[hbm4b:s6+s13] =	stream.strided.scatter [tilespmem:s11], [sflag:$0x3], $0x3200, s14, s13, $0x38;
	[tilespmem:$0x6500] =	vst v63  }
0x40: {  	_ =	swait.ge [sflag:s9], $0x3200  }
0x41: {  	[sflag:s9] =	ssyncset.done $0x0  }
0x42: {  	[sflag:s9] =	ssyncadd.s32 $0xFFFFCE00  }
0x43: {  	s17 =	sadd.s32 $0x1, s17;
	_ =	swait.ge [sflag:s15], $0x3200  }
0x44: {  	p0 =	sne.s32 s17, s5;
	[sflag:s15] =	ssyncset.done $0x0  }
.Ltmp1:
0x45: {  	[sflag:s15] =	ssyncadd.s32 $0xFFFFCE00;
	(pc) =	sbr.rel @p0 .LBB2_1-.Ltmp1, $4  }
0x46: {  	[hbm4b:s7+s13] =	stream.strided.scatter [tilespmem:s12], [sflag:$0x3], $0x3200, s14, s13, $0x38;
	[tilespmem:$0x6500] =	vst v63  }
0x47: {  	_ =	swait.ge [sflag:s9], $0x3200  }
0x48: {  	[sflag:s9] =	ssyncset.done $0x0  }
0x49: {  	[sflag:s9] =	ssyncadd.s32 $0xFFFFCE00  }
0x4a: {  	_ =	sfence.sel $0x180000  }
0x4b: {  	[bflag:$0x0] =	sbarrier.arrive $0xFFFF  }
0x4c: {  	p0 =	sne.s32 s1, $0x0;
	_ =	strace $0x90000047  }
0x4d: {  	s0 =	sadd.s32 @!p0 $0x100000, s0;
	[bflag:$0x2] =	sbarrier.arrive $0xFFFF  }
0x4e: {  	[sflag:s0] =	ssyncadd.tile.s32 @!p0 $0x1;
	_ =	shalt  }
.Lfunc_end2:
_tile_overlayer_lowered:
.L_overlay_start_2:
0x4f: {  	(tag) =	ssettag $0x2  }
0x50: {  	s0 =	rddreg [dreg:$0x0];
	s2 =	stileid.u32  }
0x51: {  	s1 =	rddreg [dreg:$0x1];
	p0 =	sne.s32 s2, $0x0  }
0x52: {  	s3 =	rddreg [dreg:$0x2];
	[bflag:$0x3] =	sbarrier.arrive $0xFFFF;
	s2 =	simm.s32 @!p0 $0x1C03  }
0x53: {  	[timem:s3], [sflag:s2] =	dma.local @!p0 [hbm:s0], s1  }
0x54: {  	s0 =	simm.s32 @!p0 $0x3  }
0x55: {  	_ =	swait.ge @!p0 [sflag:s0], s1  }
0x56: {  	s1 =	ssub.s32 @!p0 $0x0, s1;
	[sflag:s0] =	ssyncset.done @!p0 $0x0  }
0x57: {  	[sflag:s0] =	ssyncadd.s32 @!p0 s1  }
0x58: {  	[bflag:$0x3] =	sbarrier.arrive $0xFFFF  }
0x59: {  	_ =	shalt  }

// kernel: _run.8.cloned.1.call-start
scs
__scs_entry_jumppad:
0x0: {  	(pc) =	sbr.rel $0x88, $3  }
0x1: {  	(tag) =	ssettag $0x0;
	lr =	simm.s32 $0x1  }
0x2: {  	[smem:$0x3F9D] =	sst lr;
	_ =	strace $0xD0000000  }
0x3: {  	_ = 	snop  }
0x4: {  	_ = 	snop  }
0x5: {  	_ = 	snop  }
0x6: {  	_ = 	snop  }
0x7: {  	_ = 	snop  }
__scs_overlays_trampoline_lowered:
0x8: {  	[smem:$0x3FAC] =	sst s0  }
0x9: {  	[smem:$0x3FAD] =	sst s1  }
0xa: {  	[smem:$0x3FAE] =	sst s2  }
0xb: {  	[smem:$0x3FAF] =	sst s3  }
0xc: {  	[smem:$0x3FB0] =	sst s4  }
0xd: {  	[smem:$0x3FB1] =	sst s5  }
0xe: {  	[smem:$0x3FB2] =	sst s6  }
0xf: {  	[smem:$0x3FB3] =	sst s7  }
0x10: {  	[smem:$0x3FB4] =	sst s8  }
0x11: {  	[smem:$0x3FB5] =	sst s9;
	s0 =	simm.s32 @!p0 $0x0  }
0x12: {  	s1 =	sld [smem:$0x3F9B];
	s0 =	simm.s32 @p0 $0x1  }
0x13: {  	[smem:$0x3FB6] =	sst s0;
	s0 =	simm.s32 @!p1 $0x0  }
0x14: {  	s2 =	sld [smem:$0x3F9A];
	s0 =	simm.s32 @p1 $0x1  }
0x15: {  	[smem:$0x3FB7] =	sst s0;
	s0 =	simm.s32 @!p2 $0x0  }
0x16: {  	s3 =	sld [smem:$0x3FDB];
	s0 =	simm.s32 @p2 $0x1  }
0x17: {  	s4 =	simm.s32 $0x1BF5;
	[smem:$0x3FB9] =	sst s0  }
0x18: {  	s0 =	sld [smem:$0x3F9C];
	_ =	swait.ge [sflag:s4], $0x0  }
0x19: {  	s7 =	sld [smem:$0x3F9D]  }
0x1a: {  	s8 =	sadd.s32 $0xFFFFE003, lr  }
0x1b: {  	s9 =	sadd.s32 $0xFFFFFEF7, lr;
	s5 =	simm.s32 $0xFFFFFFFF;
	p2 =	slt.u32 s8, $0xFFFFF086  }
0x1c: {  	p1 =	slt.u32 s9, $0xF7A;
	s5 =	simm.s32 @!p2 $0x0  }
0x1d: {  	s5 =	simm.s32 @p1 $0x1;
	p0 =	seq.s32 s7, s2  }
0x1e: {  	s7 =	smul.u32 @!p0 $0xF7A, s2;
	p2 =	seq.s32 @!p0 s5, $0x0  }
0x1f: {  	s9 =	smul.u32 $0xF7A, s1;
	s8 =	simm.s32 @!p0 $0x1BF5;
	p2 =	por !p2, p0  }
0x20: {  	[sflag:s8] =	ssyncset.s32 @!p0 $0xFFFFF086;
	s6 =	sadd.s32 @!p0 s3, s7;
	s7 =	simm.s32 @!p0 $0x108  }
0x21: {  	s3 =	sadd.s32 s3, s9;
	s6 =	sadd.s32 @!p0 $0x88, s6;
	s7 =	simm.s32 @p2 $0x1082  }
0x22: {  	[simem:s7], [sflag:s8] =	dma.local @!p0 [hbm:s6], $0xF7A  }
0x23: {  	s9 =	sor.u32 $0xD0000000, s2;
	s6 =	simm.s32 $0x108;
	_ =	swait.ge @!p0 [sflag:s8], $0x0  }
0x24: {  	s3 =	sadd.s32 $0x88, s3;
	s6 =	simm.s32 @!p1 $0x1082;
	[sflag:s4] =	ssyncset.s32 $0xFFFFF086  }
0x25: {  	[simem:s6], [sflag:s4] =	dma.local [hbm:s3], $0xF7A  }
0x26: {  	[smem:$0x3F9D] =	sst s1;
	(tag) =	ssettag s2;
	_ =	strace s9  }
0x27: {  	s1 =	sld [smem:$0x3FAD]  }
0x28: {  	s2 =	sld [smem:$0x3FAE]  }
0x29: {  	s4 =	sld [smem:$0x3FB0]  }
0x2a: {  	p0 =	seq.s32 s5, $0x0;
	s5 =	sld [smem:$0x3FB1]  }
0x2b: {  	s6 =	sld [smem:$0x3FB2]  }
0x2c: {  	s7 =	sld [smem:$0x3FB3]  }
0x2d: {  	s3 =	simm.s32 $0x108;
	s8 =	sld [smem:$0x3FB4]  }
0x2e: {  	s3 =	simm.s32 @!p0 $0x1082;
	s9 =	sld [smem:$0x3FB5]  }
0x2f: {  	lr =	sadd.s32 s0, s3;
	s0 =	sld [smem:$0x3FAC]  }
0x30: {  	s3 =	sld [smem:$0x3FAF]  }
0x31: {  	[smem:$0x3FB8] =	sst s10  }
0x32: {  	s10 =	sld [smem:$0x3FB6];
	_ =	sdelay $0x3  }
0x33: {  	p0 =	seq.s32 s10, $0x1;
	s10 =	sld [smem:$0x3FB8];
	_ =	sdelay $0x3  }
0x34: {  	[smem:$0x3FB8] =	sst s10  }
0x35: {  	s10 =	sld [smem:$0x3FB7];
	_ =	sdelay $0x3  }
0x36: {  	p1 =	seq.s32 s10, $0x1;
	s10 =	sld [smem:$0x3FB8];
	_ =	sdelay $0x3  }
0x37: {  	[smem:$0x3FB8] =	sst s10  }
0x38: {  	s10 =	sld [smem:$0x3FB9]  }
0x39: {  	_ = 	snop;
	(pc) =	sbr.ind lr, $3  }
0x3a: {  	_ = 	snop  }
0x3b: {  	_ = 	snop  }
0x3c: {  	p2 =	seq.s32 s10, $0x1;
	s10 =	sld [smem:$0x3FB8]  }
0x3d: {  	_ =	shalt  }
0x3e: {  	_ =	shalt  }
0x3f: {  	_ =	shalt  }
0x40: {  	_ =	shalt  }
0x41: {  	_ =	shalt  }
0x42: {  	_ =	shalt  }
0x43: {  	_ =	shalt  }
0x44: {  	_ =	shalt  }
0x45: {  	_ =	shalt  }
0x46: {  	_ =	shalt  }
0x47: {  	_ =	shalt  }
0x48: {  	_ =	shalt  }
0x49: {  	_ =	shalt  }
0x4a: {  	_ =	shalt  }
0x4b: {  	_ =	shalt  }
0x4c: {  	_ =	shalt  }
0x4d: {  	_ =	shalt  }
0x4e: {  	_ =	shalt  }
0x4f: {  	_ =	shalt  }
0x50: {  	_ =	shalt  }
0x51: {  	_ =	shalt  }
0x52: {  	_ =	shalt  }
0x53: {  	_ =	shalt  }
0x54: {  	_ =	shalt  }
0x55: {  	_ =	shalt  }
0x56: {  	_ =	shalt  }
0x57: {  	_ =	shalt  }
0x58: {  	_ =	shalt  }
0x59: {  	_ =	shalt  }
0x5a: {  	_ =	shalt  }
0x5b: {  	_ =	shalt  }
0x5c: {  	_ =	shalt  }
0x5d: {  	_ =	shalt  }
0x5e: {  	_ =	shalt  }
0x5f: {  	_ =	shalt  }
0x60: {  	_ =	shalt  }
0x61: {  	_ =	shalt  }
0x62: {  	_ =	shalt  }
0x63: {  	_ =	shalt  }
0x64: {  	_ =	shalt  }
0x65: {  	_ =	shalt  }
0x66: {  	_ =	shalt  }
0x67: {  	_ =	shalt  }
0x68: {  	_ =	shalt  }
0x69: {  	_ =	shalt  }
0x6a: {  	_ =	shalt  }
0x6b: {  	_ =	shalt  }
0x6c: {  	_ =	shalt  }
0x6d: {  	_ =	shalt  }
0x6e: {  	_ =	shalt  }
0x6f: {  	_ =	shalt  }
0x70: {  	_ =	shalt  }
0x71: {  	_ =	shalt  }
0x72: {  	_ =	shalt  }
0x73: {  	_ =	shalt  }
0x74: {  	_ =	shalt  }
0x75: {  	_ =	shalt  }
0x76: {  	_ =	shalt  }
0x77: {  	_ =	shalt  }
0x78: {  	_ =	shalt  }
0x79: {  	_ =	shalt  }
0x7a: {  	_ =	shalt  }
0x7b: {  	_ =	shalt  }
0x7c: {  	_ =	shalt  }
0x7d: {  	_ =	shalt  }
0x7e: {  	_ =	shalt  }
0x7f: {  	_ =	shalt  }
0x80: {  	_ =	shalt  }
0x81: {  	_ =	shalt  }
0x82: {  	_ =	shalt  }
0x83: {  	_ =	shalt  }
0x84: {  	_ =	shalt  }
0x85: {  	_ =	shalt  }
0x86: {  	_ =	shalt  }
0x87: {  	_ =	shalt  }
.Lfunc_end0:
.L_simem_size_0:
called_computation.1_lowered:
.L_overlay_start_0:
0x88: {  	s2 =	sld [smem:$0x3FD9]  }
0x89: {  	s3 =	sld [smem:$0x3FFE];
	_ =	sdelay $0x1  }
0x8a: {  	s1 =	srdreg.scid  }
0x8b: {  	s0 =	sand.u32 $0x1, s1  }
0x8c: {  	s14 =	sshll.u32 s0, $0xA;
	s2 =	sadd.s32 s3, s2  }
0x8d: {  	s2 =	sadd.s32 s2, s14  }
0x8e: {  	[smem:$0x3FC4] =	sst s2  }
0x8f: {  	_ = 	snop  }
0x90: {  	s2 =	sld [smem:$0x3FD0];
	_ =	sdelay $0x2  }
0x91: {  	s15 =	simm.s32 $0xA;
	s4 =	simm.s32 $0x10  }
0x92: {  	[smem:s4], [sflag:s15] =	dma.local [hbm:s2], $0x1  }
0x93: {  	_ =	swait.eq [sflag:s15], $0x1  }
0x94: {  	[sflag:s15] =	ssyncset.done $0x0  }
0x95: {  	[sflag:s15] =	ssyncadd.s32 $0xFFFFFFFF  }
0x96: {  	s16 =	sld [smem:$0x10];
	(tm) =	ssettm $0x1  }
0x97: {  	s17 =	sld [smem:$0x3FFB];
	_ =	sdelay $0x3  }
0x98: {  	_ =	strace s17  }
0x99: {  	s3 =	sld [smem:$0x3FFC];
	_ =	sdelay $0x3  }
0x9a: {  	_ =	strace s3  }
0x9b: {  	s3 =	sld [smem:$0x3FFD];
	_ =	sdelay $0x3  }
0x9c: {  	_ =	strace s3  }
0x9d: {  	_ =	strace $0x8FFFFFFF  }
0x9e: {  	s18 =	sld [smem:$0x3FDB];
	_ =	sdelay $0x1  }
0x9f: {  	s19 =	simm.s32 $_scs_section_size  }
0xa0: {  	s5 =	simm.s32 $_size__tile_overlayer_lowered;
	s6 =	simm.s32 $_tile_overlayer_lowered  }
0xa1: {  	s22 =	simm.s32 $0x1BFF;
	s21 =	sshll.u32 s6, $0x1;
	s3 =	sadd.s32 s19, s18  }
0xa2: {  	s7 =	simm.s32 $0x0;
	s20 =	sshll.u32 s5, $0x1;
	s5 =	sadd.s32 s21, s3  }
0xa3: {  	[timem:s7], [sflag:s22] =	dma.local [hbm:s5], s20  }
0xa4: {  	_ =	swait.ge [sflag:s22], s20  }
0xa5: {  	s4 =	ssub.s32 $0x0, s20;
	[sflag:s22] =	ssyncset.done $0x0  }
0xa6: {  	[sflag:s22] =	ssyncadd.s32 s4;
	_ =	sdelay $0x1  }
0xa7: {  	s23 =	simm.s32 $0x1B8B  }
0xa8: {  	_ =	swait.ge [sflag:s23], $0x1  }
0xa9: {  	[sflag:s23] =	ssyncset.done $0x0  }
0xaa: {  	s25 =	simm.s32 $0x1B8E;
	s24 =	sld [smem:$0x3FFE];
	[sflag:s23] =	ssyncadd.s32 $0xFFFFFFFF  }
0xab: {  	s26 =	simm.s32 $execute0_lowered;
	[smem:$0x3FD2] =	sst s25  }
0xac: {  	s5 =	sshll.u32 s26, $0x1;
	_ =	strace $0x80000049;
	[dreg:$0x1] =	wrdreg $0xFFFFFFFF  }
0xad: {  	s28 =	simm.s32 $_size_execute0_lowered;
	s3 =	sadd.s32 s3, s5;
	[dreg:$0x0] =	wrdreg $0x0  }
0xae: {  	s5 =	sshll.u32 s28, $0x1;
	[dreg:$0x2] =	wrdreg s3  }
0xaf: {  	[dreg:$0x3] =	wrdreg s5  }
0xb0: {  	[dreg:$0x4] =	wrdreg $0xC0  }
0xb1: {  	_ =	task [dreg:s7], $0x5FFFF  }
0xb2: {  	[dreg:$0x1] =	wrdreg $0xFFFFFFFF  }
0xb3: {  	[dreg:$0x0] =	wrdreg $0x60  }
0xb4: {  	[dreg:$0x2] =	wrdreg s24  }
0xb5: {  	[dreg:$0x3] =	wrdreg s16  }
0xb6: {  	[dreg:$0x4] =	wrdreg $0x9  }
0xb7: {  	_ =	task.clear_ibuf [dreg:s7], $0x5FFFF;
	_ =	strace $0x90000049  }
0xb8: {  	s29 =	simm.s32 $0x9;
	_ =	strace $0x8000004B  }
0xb9: {  	_ =	swait.ge [sflag:s29], $0x1  }
0xba: {  	[sflag:s29] =	ssyncadd.s32 $0xFFFFFFFF  }
0xbb: {  	_ =	strace $0x9000004B  }
0xbc: {  	_ =	sfence  }
0xbd: {  	s30 =	sld [smem:$0x0];
	_ =	sdelay $0x2  }
0xbe: {  	s31 =	sshll.u32 s1, $0xD;
	s1 =	sshrl.u32 s1, $0x2  }
0xbf: {  	s3 =	sand.u32 $0x4000, s31;
	s1 =	sadd.s32 s1, s30  }
0xc0: {  	s0 =	sor.u32 s3, s0;
	s1 =	sshll.u32 s1, $0x11  }
0xc1: {  	s0 =	sor.u32 s1, s0  }
0xc2: {  	s0 =	sadd.s32 $0x8F2B, s0  }
0xc3: {  	[sflag:s0] =	ssyncadd.remote.s32 $0x1  }
0xc4: {  	_ =	sfence.sel $0xFFFF  }
0xc5: {  	[dreg:$0x0] =	wrdreg $0xFFFFFFFF;
	(pc) =	sbr.abs _section_cstart, $3  }
0xc6: {  	[dreg:$0x1] =	wrdreg $0xFFFFFFFF  }
0xc7: {  	_ =	task.clear_ibuf [dreg:s7], $0x2FFFF;
	_ =	strace $0x9FFFFFFF  }
0xc8: {  	(tm) =	ssettm $0x7FFFFFFF  }
0xc9: {  	_ =	shalt  }
tec
execute0_lowered:
.L_overlay_start_1:
0x0: {  	(tag) =	ssettag $0x1  }
0x1: {  	s3 =	rddreg [dreg:$0x0];
	s1 =	srdreg.scid  }
0x2: {  	s0 =	stileid.u32;
	s6 =	rddreg [dreg:$0x1]  }
0x3: {  	s2 =	simm.s32 $0x0;
	s9 =	simm.s32 $0x68;
	s10 =	simm.s32 $0x1900  }
0x4: {  	s11 =	simm.s32 $0x60;
	s12 =	simm.s32 $0x4D00;
	s13 =	simm.s32 $0x1  }
0x5: {  	s14 =	simm.s32 $0x7D00;
	s15 =	simm.s32 $0xB100;
	s16 =	simm.s32 $0x2  }
0x6: {  	s17 =	simm.s32 $0x0;
	s4 =	sand.u32 $0x1, s1;
	s5 =	sshll.u32 s0, $0x1  }
0x7: {  	s1 =	rddreg [dreg:$0x2];
	s5 =	sor.u32 s4, s5;
	s4 =	ssub.s32 $0x2, s4  }
0x8: {  	[smem:$0x7FF] =	sst s2;
	s7 =	smul.u32 $0x320, s5;
	s8 =	sshrl.u32 s4, $0x1  }
0x9: {  	s6 =	sadd.s32 $0x8, s6;
	_ =	strace $0x8000004A;
	s8 =	ssub.s32 s4, s8  }
0xa: {  	s4 =	sshll.u32 s5, $0x5;
	s7 =	sadd.s32 s7, s3;
	s3 =	sadd.s32 $0x10E3400, s3  }
0xb: {  	s5 =	sadd.s32 $0xC00, s7;
	s7 =	smax.u32 s8, $0x1;
	s8 =	simm.s32 $0x3  }
.LBB2_1:
0xc: {  	[tilespmem:s2], [sflag:$0x3] =	stream.linear.gather [hbm4b:s5+s2], $0x1900, $0x38;
	[tilespmem:$0xE100] =	vst v63  }
0xd: {  	_ =	swait.ge [sflag:s8], $0x1900  }
0xe: {  	[sflag:s8] =	ssyncset.done $0x0  }
0xf: {  	[sflag:s8] =	ssyncadd.s32 $0xFFFFE700  }
0x10: {  	[tilespmem:s10], [sflag:$0x1] =	stream.indirect.gather [hbm4b:s3+s9], $0x80, s2, s9, $0xb8;
	[tilespmem:$0xE100] =	vst v63  }
0x11: {  	s18 =	simm.s32 $0x0  }
0x12: {  	[tilespmem:s12], [sflag:$0x1] =	stream.indirect.gather [hbm4b:s3+s11], $0x80, s9, s11, $0xb8;
	[tilespmem:$0xE100] =	vst v63  }
.LBB2_2:
0x13: {  	_ =	swait.ge [sflag:s13], $0x3400  }
0x14: {  	[sflag:s13] =	ssyncset.done $0x0  }
0x15: {  	s19 =	sshllo.u32 s18, $0x1;
	[sflag:s13] =	ssyncadd.s32 $0xFFFFCC00  }
0x16: {  	s20 =	smul.u32 $0x320, s19;
	_ =	swait.ge [sflag:s13], $0x3000  }
0x17: {  	s21 =	sshll.u32 s18, $0x1;
	[sflag:s13] =	ssyncset.done $0x0  }
0x18: {  	s21 =	sadd.s32 s4, s21;
	s20 =	sshra.s32 s20, $0x2;
	[sflag:s13] =	ssyncadd.s32 $0xFFFFD000  }
0x19: {  	[tilespmem:s14], [sflag:$0x2] =	stream.indirect.gather [hbm4b:s3+s9], $0x80, s20, s9, $0xb8;
	[tilespmem:$0xE100] =	vst v63  }
0x1a: {  	s21 =	smul.u32 $0xC80, s21;
	s20 =	sadd.s32 $0x68, s20  }
0x1b: {  	[tilespmem:s15], [sflag:$0x2] =	stream.indirect.gather [hbm4b:s3+s11], $0x80, s20, s11, $0xb8;
	[tilespmem:$0xE100] =	vst v63  }
0x1c: {  	s22 =	simm.s32 $0x10;
	s20 =	sadd.s32 s21, s6  }
0x1d: {  	s23 =	simm.s32 $0x1980;
	s21 =	simm.s32 $0x1900;
	s24 =	sadd.s32 $0x0, s20  }
.LBB2_3:
0x1e: {  	[hbm4b:s24+s2] =	stream.linear.scatter [tilespmem:s21], [sflag:$0x3], $0x40, $0x38;
	[tilespmem:$0xE100] =	vst v63  }
0x1f: {  	s24 =	smov.u32 s22;
	s21 =	smov.u32 s23;
	p0 =	sne.s32 s22, $0xC70  }
.Ltmp0:
0x20: {  	s22 =	sadd.s32 $0x10, s22;
	(pc) =	sbr.rel @p0 .LBB2_3-.Ltmp0, $2  }
0x21: {  	_ =	sdelay $0x2  }
0x22: {  	s23 =	sadd.s32 $0x80, s23;
	s24 =	sadd.s32 s24, s20  }
0x23: {  	[hbm4b:s24+s2] =	stream.linear.scatter [tilespmem:s21], [sflag:$0x3], $0x40, $0x38;
	[tilespmem:$0xE100] =	vst v63  }
0x24: {  	_ =	swait.ge [sflag:s8], $0x3200  }
0x25: {  	[sflag:s8] =	ssyncset.done $0x0  }
0x26: {  	[sflag:s8] =	ssyncadd.s32 $0xFFFFCE00  }
0x27: {  	p0 =	seq.s32 s18, $0xF;
	_ =	swait.ge [sflag:s16], $0x3400  }
0x28: {  	s19 =	sadd.s32 s4, s19;
	s20 =	smul.u32 @!p0 $0x640, s18;
	[sflag:s16] =	ssyncset.done $0x0  }
0x29: {  	s22 =	simm.s32 @!p0 $0x68;
	s19 =	smul.u32 $0xC80, s19;
	[sflag:s16] =	ssyncadd.s32 $0xFFFFCC00  }
0x2a: {  	s23 =	simm.s32 @!p0 $0x1900;
	s18 =	sadd.s32 $0x1, s18;
	_ =	swait.ge [sflag:s16], $0x3000  }
0x2b: {  	s20 =	sshra.s32 @!p0 s20, $0x2;
	s19 =	sadd.s32 s19, s6;
	[sflag:s16] =	ssyncset.done $0x0  }
0x2c: {  	s21 =	sadd.s32 @!p0 $0x190, s20;
	s20 =	sadd.s32 @!p0 $0x1F8, s20;
	[sflag:s16] =	ssyncadd.s32 $0xFFFFD000  }
0x2d: {  	[tilespmem:s23], [sflag:$0x1] =	stream.indirect.gather @!p0 [hbm4b:s3+s22], $0x80, s21, s22, $0xb8;
	[tilespmem:$0xE100] =	vst v63  }
0x2e: {  	s21 =	simm.s32 @!p0 $0x60;
	s22 =	simm.s32 @!p0 $0x4D00;
	s23 =	sadd.s32 $0x0, s19  }
0x2f: {  	[tilespmem:s22], [sflag:$0x1] =	stream.indirect.gather @!p0 [hbm4b:s3+s21], $0x80, s20, s21, $0xb8;
	[tilespmem:$0xE100] =	vst v63  }
0x30: {  	s20 =	simm.s32 $0x7D00;
	s21 =	simm.s32 $0x10;
	s22 =	simm.s32 $0x7D80  }
.LBB2_5:
0x31: {  	[hbm4b:s23+s2] =	stream.linear.scatter [tilespmem:s20], [sflag:$0x3], $0x40, $0x38;
	[tilespmem:$0xE100] =	vst v63  }
0x32: {  	s23 =	smov.u32 s21;
	s20 =	smov.u32 s22;
	p0 =	sne.s32 s21, $0xC70  }
.Ltmp1:
0x33: {  	s21 =	sadd.s32 $0x10, s21;
	(pc) =	sbr.rel @p0 .LBB2_5-.Ltmp1, $2  }
0x34: {  	_ =	sdelay $0x2  }
0x35: {  	s22 =	sadd.s32 $0x80, s22;
	s23 =	sadd.s32 s23, s19  }
0x36: {  	p0 =	sne.s32 s18, $0x10  }
.Ltmp2:
0x37: {  	_ = 	snop;
	(pc) =	sbr.rel @p0 .LBB2_2-.Ltmp2, $4  }
0x38: {  	[hbm4b:s23+s2] =	stream.linear.scatter [tilespmem:s20], [sflag:$0x3], $0x40, $0x38;
	[tilespmem:$0xE100] =	vst v63  }
0x39: {  	_ =	swait.ge [sflag:s8], $0x3200  }
0x3a: {  	[sflag:s8] =	ssyncset.done $0x0  }
0x3b: {  	[sflag:s8] =	ssyncadd.s32 $0xFFFFCE00  }
0x3c: {  	s17 =	sadd.s32 $0x1, s17  }
0x3d: {  	p0 =	sne.s32 s17, s7  }
.Ltmp3:
0x3e: {  	_ = 	snop;
	(pc) =	sbr.rel @p0 .LBB2_1-.Ltmp3, $1  }
0x3f: {  	_ =	sdelay $0x3  }
0x40: {  	_ =	sfence.sel $0x180000  }
0x41: {  	[bflag:$0x0] =	sbarrier.arrive $0xFFFF  }
0x42: {  	p0 =	sne.s32 s0, $0x0;
	_ =	strace $0x9000004A  }
0x43: {  	s0 =	sadd.s32 @!p0 $0x100000, s1;
	[bflag:$0x2] =	sbarrier.arrive $0xFFFF  }
0x44: {  	[sflag:s0] =	ssyncadd.tile.s32 @!p0 $0x1;
	_ =	shalt  }
.Lfunc_end2:
_tile_overlayer_lowered:
.L_overlay_start_2:
0x45: {  	(tag) =	ssettag $0x2  }
0x46: {  	s0 =	rddreg [dreg:$0x0];
	s2 =	stileid.u32  }
0x47: {  	s1 =	rddreg [dreg:$0x1];
	p0 =	sne.s32 s2, $0x0  }
0x48: {  	s3 =	rddreg [dreg:$0x2];
	[bflag:$0x3] =	sbarrier.arrive $0xFFFF;
	s2 =	simm.s32 @!p0 $0x1C03  }
0x49: {  	[timem:s3], [sflag:s2] =	dma.local @!p0 [hbm:s0], s1  }
0x4a: {  	s0 =	simm.s32 @!p0 $0x3  }
0x4b: {  	_ =	swait.ge @!p0 [sflag:s0], s1  }
0x4c: {  	s1 =	ssub.s32 @!p0 $0x0, s1;
	[sflag:s0] =	ssyncset.done @!p0 $0x0  }
0x4d: {  	[sflag:s0] =	ssyncadd.s32 @!p0 s1  }
0x4e: {  	[bflag:$0x3] =	sbarrier.arrive $0xFFFF  }
0x4f: {  	_ =	shalt  }

</sc_bundles>
